<compile_context>
chip_gen: v7x
topology: tpu7x:2x2x1
jax: 0.10.2.dev20260603
libtpu: 0.0.44.dev20260713+nightly
codegen_flags: <defaults>
</compile_context>

<pallas_src>
import functools

import jax
import jax.numpy as jnp
from jax import lax
from jax.experimental import pallas as pl
from jax.experimental.pallas import tpu as pltpu
from jax.experimental.pallas import tpu_sc as plsc

DIM = 2048
NE = 16
K = 2
NT = 4 * 4096
TILE = 1024
L = 16
NC = 2
NS = 16
NW = NC * NS
TOK_W = NT // NW



WPT = TILE // TOK_W


def _logits_body(x_ref, wt_ref, b_ref, out_ref):
    acc = jnp.dot(x_ref[...], wt_ref[...], preferred_element_type=jnp.float32)
    acc = acc + b_ref[...]
    out_ref[...] = acc.reshape(WPT, TOK_W, NE).transpose(0, 2, 1)


def _compute_logits_blocked(xf, wt, bias2d):
    return pl.pallas_call(
        _logits_body,
        grid=(NT // TILE,),
        in_specs=[
            pl.BlockSpec((TILE, DIM), lambda i: (i, 0)),
            pl.BlockSpec(memory_space=pltpu.VMEM),
            pl.BlockSpec(memory_space=pltpu.VMEM),
        ],
        out_specs=pl.BlockSpec((WPT, NE, TOK_W), lambda i: (i, 0, 0)),
        out_shape=jax.ShapeDtypeStruct((NW, NE, TOK_W), jnp.float32),
        compiler_params=pltpu.CompilerParams(
            dimension_semantics=("parallel",),
        ),
    )(xf, wt, bias2d)



_sc_mesh = plsc.VectorSubcoreMesh(core_axis_name="c", subcore_axis_name="s")


@functools.partial(
    pl.kernel,
    mesh=_sc_mesh,
    out_type=[
        jax.ShapeDtypeStruct((NW, K, TOK_W), jnp.float32),
        jax.ShapeDtypeStruct((NW, K, TOK_W), jnp.int32),
    ],
    scratch_types=[
        pltpu.VMEM((NE, TOK_W), jnp.float32),
        pltpu.VMEM((K, TOK_W), jnp.float32),
        pltpu.VMEM((K, TOK_W), jnp.int32),
    ],
)
def _route_sc(lg_hbm, p_hbm, i_hbm, lg_v, p_v, i_v):
    wid = lax.axis_index("s") * NC + lax.axis_index("c")
    pltpu.sync_copy(lg_hbm.at[wid], lg_v)

    def body(g, carry):
        off = g * L
        m1 = lg_v[0, pl.ds(off, L)]
        i1 = jnp.zeros((L,), jnp.int32)
        m2 = jnp.full((L,), -jnp.inf, jnp.float32)
        i2 = jnp.zeros((L,), jnp.int32)
        for e in range(1, NE):
            v = lg_v[e, pl.ds(off, L)]
            gt1 = v > m1
            gt2 = v > m2
            e_v = jnp.full((L,), e, jnp.int32)
            m2 = jnp.where(gt1, m1, jnp.where(gt2, v, m2))
            i2 = jnp.where(gt1, i1, jnp.where(gt2, e_v, i2))
            m1 = jnp.where(gt1, v, m1)
            i1 = jnp.where(gt1, e_v, i1)
        t = jnp.exp(m2 - m1)
        p1 = 1.0 / (1.0 + t)
        p_v[0, pl.ds(off, L)] = p1
        p_v[1, pl.ds(off, L)] = 1.0 - p1
        i_v[0, pl.ds(off, L)] = i1
        i_v[1, pl.ds(off, L)] = i2
        return carry

    lax.fori_loop(0, TOK_W // L, body, 0, unroll=False)
    pltpu.sync_copy(p_v, p_hbm.at[wid])
    pltpu.sync_copy(i_v, i_hbm.at[wid])



def kernel(x, W, expert_bias, ema_load):
    b, s, d = x.shape
    xf = x.reshape(b * s, d)
    wt = W.T
    bias2d = expert_bias.reshape(1, NE)
    logits_blk = _compute_logits_blocked(xf, wt, bias2d)
    p_blk, i_blk = _route_sc(logits_blk)
    topk_prob = p_blk.transpose(0, 2, 1).reshape(b, s, K)
    topk_idx = i_blk.transpose(0, 2, 1).reshape(b, s, K)
    return (topk_prob, topk_idx)

# --- scband reference (transcript-rebuilt; emitter-appended) ---
"""Pipeline reference for scband-top-krouter-62878321214268 (READ-ONLY COPY).

The authoritative reference and input builder live on the scoring server;
editing this copy changes nothing except your own understanding.
"""

import jax, jax.numpy as jnp
import numpy as np

DIM = 2048
N_EXPERTS = 16
K = 2
MOMENTUM = 0.95


def setup_inputs(seed: int = 0) -> dict:
    key = jax.random.key(seed)
    k1, k2 = jax.random.split(key)
    x = jax.random.normal(k1, (4, 4096, DIM), dtype=jnp.float32)
    # gate: nn.Linear(dim, n_experts, bias=False) -> weight [n_experts, dim]
    W = jax.random.normal(k2, (N_EXPERTS, DIM), dtype=jnp.float32) * (1.0 / np.sqrt(DIM))
    expert_bias = jnp.zeros((N_EXPERTS,), dtype=jnp.float32)
    ema_load = jnp.zeros((N_EXPERTS,), dtype=jnp.float32)
    return {"x": x, "W": W, "expert_bias": expert_bias, "ema_load": ema_load}


def reference(x, W, expert_bias, ema_load):
    # logits = self.gate(x) + self.expert_bias
    logits = jnp.einsum('bsd,ed->bse', x, W) + expert_bias
    # topk_scores, topk_idx = torch.topk(logits, k, dim=-1)
    topk_scores, topk_idx = jax.lax.top_k(logits, K)
    topk_prob = jax.nn.softmax(topk_scores, axis=-1)
    # no-grad buffer updates (side effects in torch; computed here for fidelity)
    one_hot = jnp.sum(jax.nn.one_hot(topk_idx, N_EXPERTS, dtype=x.dtype), axis=-2)
    load = one_hot.mean(axis=(0, 1))
    new_ema_load = ema_load * MOMENTUM + load * (1.0 - MOMENTUM)
    target = jnp.full_like(new_ema_load, 1.0 / N_EXPERTS)
    new_expert_bias = expert_bias + 0.01 * (target - new_ema_load)
    new_ema_load = jax.lax.stop_gradient(new_ema_load)
    new_expert_bias = jax.lax.stop_gradient(new_expert_bias)
    return (topk_prob, topk_idx)

if __name__ == "__main__":
    import jax
    _d = setup_inputs()
    print(jax.jit(kernel)(*tuple(_d.values())))

</pallas_src>

<mosaic_0001>
#map = affine_map<(d0, d1) -> (0, 0, 0)>
module attributes {stable_mosaic.version = 14 : i64} {
  func.func @_route_sc(%arg0: i32, %arg1: i32, %arg2: memref<32x16x512xf32, #tpu.memory_space<hbm>>, %arg3: memref<32x2x512xf32, #tpu.memory_space<hbm>>, %arg4: memref<32x2x512xi32, #tpu.memory_space<hbm>>, %arg5: memref<16x512xf32, #tpu.memory_space<vmem>>, %arg6: memref<2x512xf32, #tpu.memory_space<vmem>>, %arg7: memref<2x512xi32, #tpu.memory_space<vmem>>) attributes {dimension_semantics = [#tpu.dimension_semantics<core_parallel>, #tpu.dimension_semantics<subcore_parallel>], iteration_bounds = array<i64: 2, 16>, scalar_prefetch = 0 : i64, scratch_operands = 3 : i64, tpu.core_type = #tpu.core_type<sc_vector_subcore>, window_params = [{transform_indices = #map}, {transform_indices = #map}, {transform_indices = #map}]} {
    %mul3A = arith.constant 2 : i32
    %mul3A_0 = arith.muli %arg1, %mul3A : i32
    %add3A = arith.addi %mul3A_0, %arg0 : i32
    "tpu.region"() ({
      %run_scoped3A = tpu.sem_alloc : memref<!tpu.dma_semaphore, #tpu.memory_space<semaphore_mem>>
      %dma_start3A = arith.constant 0 : i32
      %dma_start3A_6 = arith.constant 0 : i32
      %dma_start3A_7 = tpu.memref_slice %arg2[%add3A, %dma_start3A, %dma_start3A_6] : memref<32x16x512xf32, #tpu.memory_space<hbm>> -> memref<1x16x512xf32, #tpu.memory_space<hbm>>
      %dma_start3A_8 = tpu.memref_squeeze %dma_start3A_7 : memref<1x16x512xf32, #tpu.memory_space<hbm>> -> memref<16x512xf32, #tpu.memory_space<hbm>>
      %dma_start3A_9 = arith.constant 0 : i32
      %dma_start3A_10 = arith.constant 0 : i32
      %dma_start3A_11 = tpu.memref_slice %arg2[%add3A, %dma_start3A_9, %dma_start3A_10] : memref<32x16x512xf32, #tpu.memory_space<hbm>> -> memref<1x16x512xf32, #tpu.memory_space<hbm>>
      %dma_start3A_12 = tpu.memref_squeeze %dma_start3A_11 : memref<1x16x512xf32, #tpu.memory_space<hbm>> -> memref<16x512xf32, #tpu.memory_space<hbm>>
      tpu.enqueue_dma source(%dma_start3A_12 : memref<16x512xf32, #tpu.memory_space<hbm>>) target(%arg5 : memref<16x512xf32, #tpu.memory_space<vmem>>) target_semaphore(%run_scoped3A : memref<!tpu.dma_semaphore, #tpu.memory_space<semaphore_mem>>)
      %dma_wait3A = arith.constant 0 : i32
      %dma_wait3A_13 = arith.constant 0 : i32
      %dma_wait3A_14 = tpu.memref_slice %arg2[%add3A, %dma_wait3A, %dma_wait3A_13] : memref<32x16x512xf32, #tpu.memory_space<hbm>> -> memref<1x16x512xf32, #tpu.memory_space<hbm>>
      %dma_wait3A_15 = tpu.memref_squeeze %dma_wait3A_14 : memref<1x16x512xf32, #tpu.memory_space<hbm>> -> memref<16x512xf32, #tpu.memory_space<hbm>>
      %dma_wait3A_16 = arith.constant 0 : i32
      %dma_wait3A_17 = arith.constant 0 : i32
      %dma_wait3A_18 = tpu.memref_slice %arg2[%add3A, %dma_wait3A_16, %dma_wait3A_17] : memref<32x16x512xf32, #tpu.memory_space<hbm>> -> memref<1x16x512xf32, #tpu.memory_space<hbm>>
      %dma_wait3A_19 = tpu.memref_squeeze %dma_wait3A_18 : memref<1x16x512xf32, #tpu.memory_space<hbm>> -> memref<16x512xf32, #tpu.memory_space<hbm>>
      tpu.wait_dma2 semaphore(%run_scoped3A : memref<!tpu.dma_semaphore, #tpu.memory_space<semaphore_mem>>) src(%dma_wait3A_19 : memref<16x512xf32, #tpu.memory_space<hbm>>) dst(%arg5 : memref<16x512xf32, #tpu.memory_space<vmem>>)
      tpu.yield
    }) : () -> ()
    %scan3A = arith.constant 0 : i32
    %scan3A_1 = arith.constant 0 : i32
    %scan3A_2 = arith.constant 32 : i32
    %scan3A_3 = arith.addi %scan3A_1, %scan3A_2 : i32
    %scan3A_4 = arith.constant 1 : i32
    scf.for %scan3A_6 = %scan3A_1 to %scan3A_3 step %scan3A_4  : i32 {
      %mul3A_7 = arith.constant 16 : i32
      %mul3A_8 = arith.muli %scan3A_6, %mul3A_7 : i32
      %get3A = arith.constant 0 : i32
      %get3A_9 = arith.index_cast %get3A : i32 to index
      %get3A_10 = arith.index_cast %mul3A_8 : i32 to index
      %get3A_11 = tpu.vector_load %arg5[%get3A_9, %get3A_10] {strides = array<i32>} : memref<16x512xf32, #tpu.memory_space<vmem>>, vector<1x16xf32>,
      %get3A_12 = vector.shape_cast %get3A_11 : vector<1x16xf32> to vector<16xf32>
      %broadcast_in_dim3A = arith.constant 0 : i32
      %broadcast_in_dim3A_13 = vector.broadcast %broadcast_in_dim3A : i32 to vector<16xi32>
      %broadcast_in_dim3A_14 = arith.constant 0xFF800000 : f32
      %broadcast_in_dim3A_15 = vector.broadcast %broadcast_in_dim3A_14 : f32 to vector<16xf32>
      %broadcast_in_dim3A_16 = arith.constant 0 : i32
      %broadcast_in_dim3A_17 = vector.broadcast %broadcast_in_dim3A_16 : i32 to vector<16xi32>
      %get3A_18 = arith.constant 1 : i32
      %get3A_19 = arith.index_cast %get3A_18 : i32 to index
      %get3A_20 = arith.index_cast %mul3A_8 : i32 to index
      %get3A_21 = tpu.vector_load %arg5[%get3A_19, %get3A_20] {strides = array<i32>} : memref<16x512xf32, #tpu.memory_space<vmem>>, vector<1x16xf32>,
      %get3A_22 = vector.shape_cast %get3A_21 : vector<1x16xf32> to vector<16xf32>
      %gt3A = arith.cmpf ogt, %get3A_22, %get3A_12 : vector<16xf32>
      %gt3A_23 = arith.cmpf ogt, %get3A_22, %broadcast_in_dim3A_15 : vector<16xf32>
      %broadcast_in_dim3A_24 = arith.constant 1 : i32
      %broadcast_in_dim3A_25 = vector.broadcast %broadcast_in_dim3A_24 : i32 to vector<16xi32>
      %select_n3A = arith.select %gt3A_23, %get3A_22, %broadcast_in_dim3A_15 : vector<16xi1>, vector<16xf32>
      %select_n3A_26 = arith.select %gt3A, %get3A_12, %select_n3A : vector<16xi1>, vector<16xf32>
      %select_n3A_27 = arith.select %gt3A_23, %broadcast_in_dim3A_25, %broadcast_in_dim3A_17 : vector<16xi1>, vector<16xi32>
      %select_n3A_28 = arith.select %gt3A, %broadcast_in_dim3A_13, %select_n3A_27 : vector<16xi1>, vector<16xi32>
      %select_n3A_29 = arith.select %gt3A, %get3A_22, %get3A_12 : vector<16xi1>, vector<16xf32>
      %select_n3A_30 = arith.select %gt3A, %broadcast_in_dim3A_25, %broadcast_in_dim3A_13 : vector<16xi1>, vector<16xi32>
      %get3A_31 = arith.constant 2 : i32
      %get3A_32 = arith.index_cast %get3A_31 : i32 to index
      %get3A_33 = arith.index_cast %mul3A_8 : i32 to index
      %get3A_34 = tpu.vector_load %arg5[%get3A_32, %get3A_33] {strides = array<i32>} : memref<16x512xf32, #tpu.memory_space<vmem>>, vector<1x16xf32>,
      %get3A_35 = vector.shape_cast %get3A_34 : vector<1x16xf32> to vector<16xf32>
      %gt3A_36 = arith.cmpf ogt, %get3A_35, %select_n3A_29 : vector<16xf32>
      %gt3A_37 = arith.cmpf ogt, %get3A_35, %select_n3A_26 : vector<16xf32>
      %broadcast_in_dim3A_38 = arith.constant 2 : i32
      %broadcast_in_dim3A_39 = vector.broadcast %broadcast_in_dim3A_38 : i32 to vector<16xi32>
      %select_n3A_40 = arith.select %gt3A_37, %get3A_35, %select_n3A_26 : vector<16xi1>, vector<16xf32>
      %select_n3A_41 = arith.select %gt3A_36, %select_n3A_29, %select_n3A_40 : vector<16xi1>, vector<16xf32>
      %select_n3A_42 = arith.select %gt3A_37, %broadcast_in_dim3A_39, %select_n3A_28 : vector<16xi1>, vector<16xi32>
      %select_n3A_43 = arith.select %gt3A_36, %select_n3A_30, %select_n3A_42 : vector<16xi1>, vector<16xi32>
      %select_n3A_44 = arith.select %gt3A_36, %get3A_35, %select_n3A_29 : vector<16xi1>, vector<16xf32>
      %select_n3A_45 = arith.select %gt3A_36, %broadcast_in_dim3A_39, %select_n3A_30 : vector<16xi1>, vector<16xi32>
      %get3A_46 = arith.constant 3 : i32
      %get3A_47 = arith.index_cast %get3A_46 : i32 to index
      %get3A_48 = arith.index_cast %mul3A_8 : i32 to index
      %get3A_49 = tpu.vector_load %arg5[%get3A_47, %get3A_48] {strides = array<i32>} : memref<16x512xf32, #tpu.memory_space<vmem>>, vector<1x16xf32>,
      %get3A_50 = vector.shape_cast %get3A_49 : vector<1x16xf32> to vector<16xf32>
      %gt3A_51 = arith.cmpf ogt, %get3A_50, %select_n3A_44 : vector<16xf32>
      %gt3A_52 = arith.cmpf ogt, %get3A_50, %select_n3A_41 : vector<16xf32>
      %broadcast_in_dim3A_53 = arith.constant 3 : i32
      %broadcast_in_dim3A_54 = vector.broadcast %broadcast_in_dim3A_53 : i32 to vector<16xi32>
      %select_n3A_55 = arith.select %gt3A_52, %get3A_50, %select_n3A_41 : vector<16xi1>, vector<16xf32>
      %select_n3A_56 = arith.select %gt3A_51, %select_n3A_44, %select_n3A_55 : vector<16xi1>, vector<16xf32>
      %select_n3A_57 = arith.select %gt3A_52, %broadcast_in_dim3A_54, %select_n3A_43 : vector<16xi1>, vector<16xi32>
      %select_n3A_58 = arith.select %gt3A_51, %select_n3A_45, %select_n3A_57 : vector<16xi1>, vector<16xi32>
      %select_n3A_59 = arith.select %gt3A_51, %get3A_50, %select_n3A_44 : vector<16xi1>, vector<16xf32>
      %select_n3A_60 = arith.select %gt3A_51, %broadcast_in_dim3A_54, %select_n3A_45 : vector<16xi1>, vector<16xi32>
      %get3A_61 = arith.constant 4 : i32
      %get3A_62 = arith.index_cast %get3A_61 : i32 to index
      %get3A_63 = arith.index_cast %mul3A_8 : i32 to index
      %get3A_64 = tpu.vector_load %arg5[%get3A_62, %get3A_63] {strides = array<i32>} : memref<16x512xf32, #tpu.memory_space<vmem>>, vector<1x16xf32>,
      %get3A_65 = vector.shape_cast %get3A_64 : vector<1x16xf32> to vector<16xf32>
      %gt3A_66 = arith.cmpf ogt, %get3A_65, %select_n3A_59 : vector<16xf32>
      %gt3A_67 = arith.cmpf ogt, %get3A_65, %select_n3A_56 : vector<16xf32>
      %broadcast_in_dim3A_68 = arith.constant 4 : i32
      %broadcast_in_dim3A_69 = vector.broadcast %broadcast_in_dim3A_68 : i32 to vector<16xi32>
      %select_n3A_70 = arith.select %gt3A_67, %get3A_65, %select_n3A_56 : vector<16xi1>, vector<16xf32>
      %select_n3A_71 = arith.select %gt3A_66, %select_n3A_59, %select_n3A_70 : vector<16xi1>, vector<16xf32>
      %select_n3A_72 = arith.select %gt3A_67, %broadcast_in_dim3A_69, %select_n3A_58 : vector<16xi1>, vector<16xi32>
      %select_n3A_73 = arith.select %gt3A_66, %select_n3A_60, %select_n3A_72 : vector<16xi1>, vector<16xi32>
      %select_n3A_74 = arith.select %gt3A_66, %get3A_65, %select_n3A_59 : vector<16xi1>, vector<16xf32>
      %select_n3A_75 = arith.select %gt3A_66, %broadcast_in_dim3A_69, %select_n3A_60 : vector<16xi1>, vector<16xi32>
      %get3A_76 = arith.constant 5 : i32
      %get3A_77 = arith.index_cast %get3A_76 : i32 to index
      %get3A_78 = arith.index_cast %mul3A_8 : i32 to index
      %get3A_79 = tpu.vector_load %arg5[%get3A_77, %get3A_78] {strides = array<i32>} : memref<16x512xf32, #tpu.memory_space<vmem>>, vector<1x16xf32>,
      %get3A_80 = vector.shape_cast %get3A_79 : vector<1x16xf32> to vector<16xf32>
      %gt3A_81 = arith.cmpf ogt, %get3A_80, %select_n3A_74 : vector<16xf32>
      %gt3A_82 = arith.cmpf ogt, %get3A_80, %select_n3A_71 : vector<16xf32>
      %broadcast_in_dim3A_83 = arith.constant 5 : i32
      %broadcast_in_dim3A_84 = vector.broadcast %broadcast_in_dim3A_83 : i32 to vector<16xi32>
      %select_n3A_85 = arith.select %gt3A_82, %get3A_80, %select_n3A_71 : vector<16xi1>, vector<16xf32>
      %select_n3A_86 = arith.select %gt3A_81, %select_n3A_74, %select_n3A_85 : vector<16xi1>, vector<16xf32>
      %select_n3A_87 = arith.select %gt3A_82, %broadcast_in_dim3A_84, %select_n3A_73 : vector<16xi1>, vector<16xi32>
      %select_n3A_88 = arith.select %gt3A_81, %select_n3A_75, %select_n3A_87 : vector<16xi1>, vector<16xi32>
      %select_n3A_89 = arith.select %gt3A_81, %get3A_80, %select_n3A_74 : vector<16xi1>, vector<16xf32>
      %select_n3A_90 = arith.select %gt3A_81, %broadcast_in_dim3A_84, %select_n3A_75 : vector<16xi1>, vector<16xi32>
      %get3A_91 = arith.constant 6 : i32
      %get3A_92 = arith.index_cast %get3A_91 : i32 to index
      %get3A_93 = arith.index_cast %mul3A_8 : i32 to index
      %get3A_94 = tpu.vector_load %arg5[%get3A_92, %get3A_93] {strides = array<i32>} : memref<16x512xf32, #tpu.memory_space<vmem>>, vector<1x16xf32>,
      %get3A_95 = vector.shape_cast %get3A_94 : vector<1x16xf32> to vector<16xf32>
      %gt3A_96 = arith.cmpf ogt, %get3A_95, %select_n3A_89 : vector<16xf32>
      %gt3A_97 = arith.cmpf ogt, %get3A_95, %select_n3A_86 : vector<16xf32>
      %broadcast_in_dim3A_98 = arith.constant 6 : i32
      %broadcast_in_dim3A_99 = vector.broadcast %broadcast_in_dim3A_98 : i32 to vector<16xi32>
      %select_n3A_100 = arith.select %gt3A_97, %get3A_95, %select_n3A_86 : vector<16xi1>, vector<16xf32>
      %select_n3A_101 = arith.select %gt3A_96, %select_n3A_89, %select_n3A_100 : vector<16xi1>, vector<16xf32>
      %select_n3A_102 = arith.select %gt3A_97, %broadcast_in_dim3A_99, %select_n3A_88 : vector<16xi1>, vector<16xi32>
      %select_n3A_103 = arith.select %gt3A_96, %select_n3A_90, %select_n3A_102 : vector<16xi1>, vector<16xi32>
      %select_n3A_104 = arith.select %gt3A_96, %get3A_95, %select_n3A_89 : vector<16xi1>, vector<16xf32>
      %select_n3A_105 = arith.select %gt3A_96, %broadcast_in_dim3A_99, %select_n3A_90 : vector<16xi1>, vector<16xi32>
      %get3A_106 = arith.constant 7 : i32
      %get3A_107 = arith.index_cast %get3A_106 : i32 to index
      %get3A_108 = arith.index_cast %mul3A_8 : i32 to index
      %get3A_109 = tpu.vector_load %arg5[%get3A_107, %get3A_108] {strides = array<i32>} : memref<16x512xf32, #tpu.memory_space<vmem>>, vector<1x16xf32>,
      %get3A_110 = vector.shape_cast %get3A_109 : vector<1x16xf32> to vector<16xf32>
      %gt3A_111 = arith.cmpf ogt, %get3A_110, %select_n3A_104 : vector<16xf32>
      %gt3A_112 = arith.cmpf ogt, %get3A_110, %select_n3A_101 : vector<16xf32>
      %broadcast_in_dim3A_113 = arith.constant 7 : i32
      %broadcast_in_dim3A_114 = vector.broadcast %broadcast_in_dim3A_113 : i32 to vector<16xi32>
      %select_n3A_115 = arith.select %gt3A_112, %get3A_110, %select_n3A_101 : vector<16xi1>, vector<16xf32>
      %select_n3A_116 = arith.select %gt3A_111, %select_n3A_104, %select_n3A_115 : vector<16xi1>, vector<16xf32>
      %select_n3A_117 = arith.select %gt3A_112, %broadcast_in_dim3A_114, %select_n3A_103 : vector<16xi1>, vector<16xi32>
      %select_n3A_118 = arith.select %gt3A_111, %select_n3A_105, %select_n3A_117 : vector<16xi1>, vector<16xi32>
      %select_n3A_119 = arith.select %gt3A_111, %get3A_110, %select_n3A_104 : vector<16xi1>, vector<16xf32>
      %select_n3A_120 = arith.select %gt3A_111, %broadcast_in_dim3A_114, %select_n3A_105 : vector<16xi1>, vector<16xi32>
      %get3A_121 = arith.constant 8 : i32
      %get3A_122 = arith.index_cast %get3A_121 : i32 to index
      %get3A_123 = arith.index_cast %mul3A_8 : i32 to index
      %get3A_124 = tpu.vector_load %arg5[%get3A_122, %get3A_123] {strides = array<i32>} : memref<16x512xf32, #tpu.memory_space<vmem>>, vector<1x16xf32>,
      %get3A_125 = vector.shape_cast %get3A_124 : vector<1x16xf32> to vector<16xf32>
      %gt3A_126 = arith.cmpf ogt, %get3A_125, %select_n3A_119 : vector<16xf32>
      %gt3A_127 = arith.cmpf ogt, %get3A_125, %select_n3A_116 : vector<16xf32>
      %broadcast_in_dim3A_128 = arith.constant 8 : i32
      %broadcast_in_dim3A_129 = vector.broadcast %broadcast_in_dim3A_128 : i32 to vector<16xi32>
      %select_n3A_130 = arith.select %gt3A_127, %get3A_125, %select_n3A_116 : vector<16xi1>, vector<16xf32>
      %select_n3A_131 = arith.select %gt3A_126, %select_n3A_119, %select_n3A_130 : vector<16xi1>, vector<16xf32>
      %select_n3A_132 = arith.select %gt3A_127, %broadcast_in_dim3A_129, %select_n3A_118 : vector<16xi1>, vector<16xi32>
      %select_n3A_133 = arith.select %gt3A_126, %select_n3A_120, %select_n3A_132 : vector<16xi1>, vector<16xi32>
      %select_n3A_134 = arith.select %gt3A_126, %get3A_125, %select_n3A_119 : vector<16xi1>, vector<16xf32>
      %select_n3A_135 = arith.select %gt3A_126, %broadcast_in_dim3A_129, %select_n3A_120 : vector<16xi1>, vector<16xi32>
      %get3A_136 = arith.constant 9 : i32
      %get3A_137 = arith.index_cast %get3A_136 : i32 to index
      %get3A_138 = arith.index_cast %mul3A_8 : i32 to index
      %get3A_139 = tpu.vector_load %arg5[%get3A_137, %get3A_138] {strides = array<i32>} : memref<16x512xf32, #tpu.memory_space<vmem>>, vector<1x16xf32>,
      %get3A_140 = vector.shape_cast %get3A_139 : vector<1x16xf32> to vector<16xf32>
      %gt3A_141 = arith.cmpf ogt, %get3A_140, %select_n3A_134 : vector<16xf32>
      %gt3A_142 = arith.cmpf ogt, %get3A_140, %select_n3A_131 : vector<16xf32>
      %broadcast_in_dim3A_143 = arith.constant 9 : i32
      %broadcast_in_dim3A_144 = vector.broadcast %broadcast_in_dim3A_143 : i32 to vector<16xi32>
      %select_n3A_145 = arith.select %gt3A_142, %get3A_140, %select_n3A_131 : vector<16xi1>, vector<16xf32>
      %select_n3A_146 = arith.select %gt3A_141, %select_n3A_134, %select_n3A_145 : vector<16xi1>, vector<16xf32>
      %select_n3A_147 = arith.select %gt3A_142, %broadcast_in_dim3A_144, %select_n3A_133 : vector<16xi1>, vector<16xi32>
      %select_n3A_148 = arith.select %gt3A_141, %select_n3A_135, %select_n3A_147 : vector<16xi1>, vector<16xi32>
      %select_n3A_149 = arith.select %gt3A_141, %get3A_140, %select_n3A_134 : vector<16xi1>, vector<16xf32>
      %select_n3A_150 = arith.select %gt3A_141, %broadcast_in_dim3A_144, %select_n3A_135 : vector<16xi1>, vector<16xi32>
      %get3A_151 = arith.constant 10 : i32
      %get3A_152 = arith.index_cast %get3A_151 : i32 to index
      %get3A_153 = arith.index_cast %mul3A_8 : i32 to index
      %get3A_154 = tpu.vector_load %arg5[%get3A_152, %get3A_153] {strides = array<i32>} : memref<16x512xf32, #tpu.memory_space<vmem>>, vector<1x16xf32>,
      %get3A_155 = vector.shape_cast %get3A_154 : vector<1x16xf32> to vector<16xf32>
      %gt3A_156 = arith.cmpf ogt, %get3A_155, %select_n3A_149 : vector<16xf32>
      %gt3A_157 = arith.cmpf ogt, %get3A_155, %select_n3A_146 : vector<16xf32>
      %broadcast_in_dim3A_158 = arith.constant 10 : i32
      %broadcast_in_dim3A_159 = vector.broadcast %broadcast_in_dim3A_158 : i32 to vector<16xi32>
      %select_n3A_160 = arith.select %gt3A_157, %get3A_155, %select_n3A_146 : vector<16xi1>, vector<16xf32>
      %select_n3A_161 = arith.select %gt3A_156, %select_n3A_149, %select_n3A_160 : vector<16xi1>, vector<16xf32>
      %select_n3A_162 = arith.select %gt3A_157, %broadcast_in_dim3A_159, %select_n3A_148 : vector<16xi1>, vector<16xi32>
      %select_n3A_163 = arith.select %gt3A_156, %select_n3A_150, %select_n3A_162 : vector<16xi1>, vector<16xi32>
      %select_n3A_164 = arith.select %gt3A_156, %get3A_155, %select_n3A_149 : vector<16xi1>, vector<16xf32>
      %select_n3A_165 = arith.select %gt3A_156, %broadcast_in_dim3A_159, %select_n3A_150 : vector<16xi1>, vector<16xi32>
      %get3A_166 = arith.constant 11 : i32
      %get3A_167 = arith.index_cast %get3A_166 : i32 to index
      %get3A_168 = arith.index_cast %mul3A_8 : i32 to index
      %get3A_169 = tpu.vector_load %arg5[%get3A_167, %get3A_168] {strides = array<i32>} : memref<16x512xf32, #tpu.memory_space<vmem>>, vector<1x16xf32>,
      %get3A_170 = vector.shape_cast %get3A_169 : vector<1x16xf32> to vector<16xf32>
      %gt3A_171 = arith.cmpf ogt, %get3A_170, %select_n3A_164 : vector<16xf32>
      %gt3A_172 = arith.cmpf ogt, %get3A_170, %select_n3A_161 : vector<16xf32>
      %broadcast_in_dim3A_173 = arith.constant 11 : i32
      %broadcast_in_dim3A_174 = vector.broadcast %broadcast_in_dim3A_173 : i32 to vector<16xi32>
      %select_n3A_175 = arith.select %gt3A_172, %get3A_170, %select_n3A_161 : vector<16xi1>, vector<16xf32>
      %select_n3A_176 = arith.select %gt3A_171, %select_n3A_164, %select_n3A_175 : vector<16xi1>, vector<16xf32>
      %select_n3A_177 = arith.select %gt3A_172, %broadcast_in_dim3A_174, %select_n3A_163 : vector<16xi1>, vector<16xi32>
      %select_n3A_178 = arith.select %gt3A_171, %select_n3A_165, %select_n3A_177 : vector<16xi1>, vector<16xi32>
      %select_n3A_179 = arith.select %gt3A_171, %get3A_170, %select_n3A_164 : vector<16xi1>, vector<16xf32>
      %select_n3A_180 = arith.select %gt3A_171, %broadcast_in_dim3A_174, %select_n3A_165 : vector<16xi1>, vector<16xi32>
      %get3A_181 = arith.constant 12 : i32
      %get3A_182 = arith.index_cast %get3A_181 : i32 to index
      %get3A_183 = arith.index_cast %mul3A_8 : i32 to index
      %get3A_184 = tpu.vector_load %arg5[%get3A_182, %get3A_183] {strides = array<i32>} : memref<16x512xf32, #tpu.memory_space<vmem>>, vector<1x16xf32>,
      %get3A_185 = vector.shape_cast %get3A_184 : vector<1x16xf32> to vector<16xf32>
      %gt3A_186 = arith.cmpf ogt, %get3A_185, %select_n3A_179 : vector<16xf32>
      %gt3A_187 = arith.cmpf ogt, %get3A_185, %select_n3A_176 : vector<16xf32>
      %broadcast_in_dim3A_188 = arith.constant 12 : i32
      %broadcast_in_dim3A_189 = vector.broadcast %broadcast_in_dim3A_188 : i32 to vector<16xi32>
      %select_n3A_190 = arith.select %gt3A_187, %get3A_185, %select_n3A_176 : vector<16xi1>, vector<16xf32>
      %select_n3A_191 = arith.select %gt3A_186, %select_n3A_179, %select_n3A_190 : vector<16xi1>, vector<16xf32>
      %select_n3A_192 = arith.select %gt3A_187, %broadcast_in_dim3A_189, %select_n3A_178 : vector<16xi1>, vector<16xi32>
      %select_n3A_193 = arith.select %gt3A_186, %select_n3A_180, %select_n3A_192 : vector<16xi1>, vector<16xi32>
      %select_n3A_194 = arith.select %gt3A_186, %get3A_185, %select_n3A_179 : vector<16xi1>, vector<16xf32>
      %select_n3A_195 = arith.select %gt3A_186, %broadcast_in_dim3A_189, %select_n3A_180 : vector<16xi1>, vector<16xi32>
      %get3A_196 = arith.constant 13 : i32
      %get3A_197 = arith.index_cast %get3A_196 : i32 to index
      %get3A_198 = arith.index_cast %mul3A_8 : i32 to index
      %get3A_199 = tpu.vector_load %arg5[%get3A_197, %get3A_198] {strides = array<i32>} : memref<16x512xf32, #tpu.memory_space<vmem>>, vector<1x16xf32>,
      %get3A_200 = vector.shape_cast %get3A_199 : vector<1x16xf32> to vector<16xf32>
      %gt3A_201 = arith.cmpf ogt, %get3A_200, %select_n3A_194 : vector<16xf32>
      %gt3A_202 = arith.cmpf ogt, %get3A_200, %select_n3A_191 : vector<16xf32>
      %broadcast_in_dim3A_203 = arith.constant 13 : i32
      %broadcast_in_dim3A_204 = vector.broadcast %broadcast_in_dim3A_203 : i32 to vector<16xi32>
      %select_n3A_205 = arith.select %gt3A_202, %get3A_200, %select_n3A_191 : vector<16xi1>, vector<16xf32>
      %select_n3A_206 = arith.select %gt3A_201, %select_n3A_194, %select_n3A_205 : vector<16xi1>, vector<16xf32>
      %select_n3A_207 = arith.select %gt3A_202, %broadcast_in_dim3A_204, %select_n3A_193 : vector<16xi1>, vector<16xi32>
      %select_n3A_208 = arith.select %gt3A_201, %select_n3A_195, %select_n3A_207 : vector<16xi1>, vector<16xi32>
      %select_n3A_209 = arith.select %gt3A_201, %get3A_200, %select_n3A_194 : vector<16xi1>, vector<16xf32>
      %select_n3A_210 = arith.select %gt3A_201, %broadcast_in_dim3A_204, %select_n3A_195 : vector<16xi1>, vector<16xi32>
      %get3A_211 = arith.constant 14 : i32
      %get3A_212 = arith.index_cast %get3A_211 : i32 to index
      %get3A_213 = arith.index_cast %mul3A_8 : i32 to index
      %get3A_214 = tpu.vector_load %arg5[%get3A_212, %get3A_213] {strides = array<i32>} : memref<16x512xf32, #tpu.memory_space<vmem>>, vector<1x16xf32>,
      %get3A_215 = vector.shape_cast %get3A_214 : vector<1x16xf32> to vector<16xf32>
      %gt3A_216 = arith.cmpf ogt, %get3A_215, %select_n3A_209 : vector<16xf32>
      %gt3A_217 = arith.cmpf ogt, %get3A_215, %select_n3A_206 : vector<16xf32>
      %broadcast_in_dim3A_218 = arith.constant 14 : i32
      %broadcast_in_dim3A_219 = vector.broadcast %broadcast_in_dim3A_218 : i32 to vector<16xi32>
      %select_n3A_220 = arith.select %gt3A_217, %get3A_215, %select_n3A_206 : vector<16xi1>, vector<16xf32>
      %select_n3A_221 = arith.select %gt3A_216, %select_n3A_209, %select_n3A_220 : vector<16xi1>, vector<16xf32>
      %select_n3A_222 = arith.select %gt3A_217, %broadcast_in_dim3A_219, %select_n3A_208 : vector<16xi1>, vector<16xi32>
      %select_n3A_223 = arith.select %gt3A_216, %select_n3A_210, %select_n3A_222 : vector<16xi1>, vector<16xi32>
      %select_n3A_224 = arith.select %gt3A_216, %get3A_215, %select_n3A_209 : vector<16xi1>, vector<16xf32>
      %select_n3A_225 = arith.select %gt3A_216, %broadcast_in_dim3A_219, %select_n3A_210 : vector<16xi1>, vector<16xi32>
      %get3A_226 = arith.constant 15 : i32
      %get3A_227 = arith.index_cast %get3A_226 : i32 to index
      %get3A_228 = arith.index_cast %mul3A_8 : i32 to index
      %get3A_229 = tpu.vector_load %arg5[%get3A_227, %get3A_228] {strides = array<i32>} : memref<16x512xf32, #tpu.memory_space<vmem>>, vector<1x16xf32>,
      %get3A_230 = vector.shape_cast %get3A_229 : vector<1x16xf32> to vector<16xf32>
      %gt3A_231 = arith.cmpf ogt, %get3A_230, %select_n3A_224 : vector<16xf32>
      %gt3A_232 = arith.cmpf ogt, %get3A_230, %select_n3A_221 : vector<16xf32>
      %broadcast_in_dim3A_233 = arith.constant 15 : i32
      %broadcast_in_dim3A_234 = vector.broadcast %broadcast_in_dim3A_233 : i32 to vector<16xi32>
      %select_n3A_235 = arith.select %gt3A_232, %get3A_230, %select_n3A_221 : vector<16xi1>, vector<16xf32>
      %select_n3A_236 = arith.select %gt3A_231, %select_n3A_224, %select_n3A_235 : vector<16xi1>, vector<16xf32>
      %select_n3A_237 = arith.select %gt3A_232, %broadcast_in_dim3A_234, %select_n3A_223 : vector<16xi1>, vector<16xi32>
      %select_n3A_238 = arith.select %gt3A_231, %select_n3A_225, %select_n3A_237 : vector<16xi1>, vector<16xi32>
      %select_n3A_239 = arith.select %gt3A_231, %get3A_230, %select_n3A_224 : vector<16xi1>, vector<16xf32>
      %select_n3A_240 = arith.select %gt3A_231, %broadcast_in_dim3A_234, %select_n3A_225 : vector<16xi1>, vector<16xi32>
      %sub3A = arith.subf %select_n3A_236, %select_n3A_239 : vector<16xf32>
      %exp3A = math.exp %sub3A : vector<16xf32>
      %add3A_241 = arith.constant 1.000000e+00 : f32
      %add3A_242 = vector.broadcast %add3A_241 : f32 to vector<16xf32>
      %add3A_243 = arith.addf %add3A_242, %exp3A : vector<16xf32>
      %div3A = arith.constant 1.000000e+00 : f32
      %div3A_244 = vector.broadcast %div3A : f32 to vector<16xf32>
      %div3A_245 = arith.divf %div3A_244, %add3A_243 : vector<16xf32>
      %swap3A = arith.constant 0 : i32
      %swap3A_246 = arith.index_cast %swap3A : i32 to index
      %swap3A_247 = arith.index_cast %mul3A_8 : i32 to index
      %swap3A_248 = tpu.vector_load %arg6[%swap3A_246, %swap3A_247] {strides = array<i32>} : memref<2x512xf32, #tpu.memory_space<vmem>>, vector<1x16xf32>,
      %swap3A_249 = vector.shape_cast %swap3A_248 : vector<1x16xf32> to vector<16xf32>
      %swap3A_250 = vector.shape_cast %div3A_245 : vector<16xf32> to vector<1x16xf32>
      tpu.vector_store %arg6[%swap3A_246, %swap3A_247], %swap3A_250 {strides = array<i32>} : memref<2x512xf32, #tpu.memory_space<vmem>>, vector<1x16xf32>,
      %sub3A_251 = arith.constant 1.000000e+00 : f32
      %sub3A_252 = vector.broadcast %sub3A_251 : f32 to vector<16xf32>
      %sub3A_253 = arith.subf %sub3A_252, %div3A_245 : vector<16xf32>
      %swap3A_254 = arith.constant 1 : i32
      %swap3A_255 = arith.index_cast %swap3A_254 : i32 to index
      %swap3A_256 = arith.index_cast %mul3A_8 : i32 to index
      %swap3A_257 = tpu.vector_load %arg6[%swap3A_255, %swap3A_256] {strides = array<i32>} : memref<2x512xf32, #tpu.memory_space<vmem>>, vector<1x16xf32>,
      %swap3A_258 = vector.shape_cast %swap3A_257 : vector<1x16xf32> to vector<16xf32>
      %swap3A_259 = vector.shape_cast %sub3A_253 : vector<16xf32> to vector<1x16xf32>
      tpu.vector_store %arg6[%swap3A_255, %swap3A_256], %swap3A_259 {strides = array<i32>} : memref<2x512xf32, #tpu.memory_space<vmem>>, vector<1x16xf32>,
      %swap3A_260 = arith.constant 0 : i32
      %swap3A_261 = arith.index_cast %swap3A_260 : i32 to index
      %swap3A_262 = arith.index_cast %mul3A_8 : i32 to index
      %swap3A_263 = tpu.vector_load %arg7[%swap3A_261, %swap3A_262] {strides = array<i32>} : memref<2x512xi32, #tpu.memory_space<vmem>>, vector<1x16xi32>,
      %swap3A_264 = vector.shape_cast %swap3A_263 : vector<1x16xi32> to vector<16xi32>
      %swap3A_265 = vector.shape_cast %select_n3A_240 : vector<16xi32> to vector<1x16xi32>
      tpu.vector_store %arg7[%swap3A_261, %swap3A_262], %swap3A_265 {strides = array<i32>} : memref<2x512xi32, #tpu.memory_space<vmem>>, vector<1x16xi32>,
      %swap3A_266 = arith.constant 1 : i32
      %swap3A_267 = arith.index_cast %swap3A_266 : i32 to index
      %swap3A_268 = arith.index_cast %mul3A_8 : i32 to index
      %swap3A_269 = tpu.vector_load %arg7[%swap3A_267, %swap3A_268] {strides = array<i32>} : memref<2x512xi32, #tpu.memory_space<vmem>>, vector<1x16xi32>,
      %swap3A_270 = vector.shape_cast %swap3A_269 : vector<1x16xi32> to vector<16xi32>
      %swap3A_271 = vector.shape_cast %select_n3A_238 : vector<16xi32> to vector<1x16xi32>
      tpu.vector_store %arg7[%swap3A_267, %swap3A_268], %swap3A_271 {strides = array<i32>} : memref<2x512xi32, #tpu.memory_space<vmem>>, vector<1x16xi32>,
    }
    %scan3A_5 = arith.constant 32 : i32
    "tpu.region"() ({
      %run_scoped3A = tpu.sem_alloc : memref<!tpu.dma_semaphore, #tpu.memory_space<semaphore_mem>>
      %dma_start3A = arith.constant 0 : i32
      %dma_start3A_6 = arith.constant 0 : i32
      %dma_start3A_7 = tpu.memref_slice %arg3[%add3A, %dma_start3A, %dma_start3A_6] : memref<32x2x512xf32, #tpu.memory_space<hbm>> -> memref<1x2x512xf32, #tpu.memory_space<hbm>>
      %dma_start3A_8 = tpu.memref_squeeze %dma_start3A_7 : memref<1x2x512xf32, #tpu.memory_space<hbm>> -> memref<2x512xf32, #tpu.memory_space<hbm>>
      %dma_start3A_9 = arith.constant 0 : i32
      %dma_start3A_10 = arith.constant 0 : i32
      %dma_start3A_11 = tpu.memref_slice %arg3[%add3A, %dma_start3A_9, %dma_start3A_10] : memref<32x2x512xf32, #tpu.memory_space<hbm>> -> memref<1x2x512xf32, #tpu.memory_space<hbm>>
      %dma_start3A_12 = tpu.memref_squeeze %dma_start3A_11 : memref<1x2x512xf32, #tpu.memory_space<hbm>> -> memref<2x512xf32, #tpu.memory_space<hbm>>
      tpu.enqueue_dma source(%arg6 : memref<2x512xf32, #tpu.memory_space<vmem>>) target(%dma_start3A_12 : memref<2x512xf32, #tpu.memory_space<hbm>>) target_semaphore(%run_scoped3A : memref<!tpu.dma_semaphore, #tpu.memory_space<semaphore_mem>>)
      %dma_wait3A = arith.constant 0 : i32
      %dma_wait3A_13 = arith.constant 0 : i32
      %dma_wait3A_14 = tpu.memref_slice %arg3[%add3A, %dma_wait3A, %dma_wait3A_13] : memref<32x2x512xf32, #tpu.memory_space<hbm>> -> memref<1x2x512xf32, #tpu.memory_space<hbm>>
      %dma_wait3A_15 = tpu.memref_squeeze %dma_wait3A_14 : memref<1x2x512xf32, #tpu.memory_space<hbm>> -> memref<2x512xf32, #tpu.memory_space<hbm>>
      %dma_wait3A_16 = arith.constant 0 : i32
      %dma_wait3A_17 = arith.constant 0 : i32
      %dma_wait3A_18 = tpu.memref_slice %arg3[%add3A, %dma_wait3A_16, %dma_wait3A_17] : memref<32x2x512xf32, #tpu.memory_space<hbm>> -> memref<1x2x512xf32, #tpu.memory_space<hbm>>
      %dma_wait3A_19 = tpu.memref_squeeze %dma_wait3A_18 : memref<1x2x512xf32, #tpu.memory_space<hbm>> -> memref<2x512xf32, #tpu.memory_space<hbm>>
      tpu.wait_dma2 semaphore(%run_scoped3A : memref<!tpu.dma_semaphore, #tpu.memory_space<semaphore_mem>>) src(%arg6 : memref<2x512xf32, #tpu.memory_space<vmem>>) dst(%dma_wait3A_19 : memref<2x512xf32, #tpu.memory_space<hbm>>)
      tpu.yield
    }) : () -> ()
    "tpu.region"() ({
      %run_scoped3A = tpu.sem_alloc : memref<!tpu.dma_semaphore, #tpu.memory_space<semaphore_mem>>
      %dma_start3A = arith.constant 0 : i32
      %dma_start3A_6 = arith.constant 0 : i32
      %dma_start3A_7 = tpu.memref_slice %arg4[%add3A, %dma_start3A, %dma_start3A_6] : memref<32x2x512xi32, #tpu.memory_space<hbm>> -> memref<1x2x512xi32, #tpu.memory_space<hbm>>
      %dma_start3A_8 = tpu.memref_squeeze %dma_start3A_7 : memref<1x2x512xi32, #tpu.memory_space<hbm>> -> memref<2x512xi32, #tpu.memory_space<hbm>>
      %dma_start3A_9 = arith.constant 0 : i32
      %dma_start3A_10 = arith.constant 0 : i32
      %dma_start3A_11 = tpu.memref_slice %arg4[%add3A, %dma_start3A_9, %dma_start3A_10] : memref<32x2x512xi32, #tpu.memory_space<hbm>> -> memref<1x2x512xi32, #tpu.memory_space<hbm>>
      %dma_start3A_12 = tpu.memref_squeeze %dma_start3A_11 : memref<1x2x512xi32, #tpu.memory_space<hbm>> -> memref<2x512xi32, #tpu.memory_space<hbm>>
      tpu.enqueue_dma source(%arg7 : memref<2x512xi32, #tpu.memory_space<vmem>>) target(%dma_start3A_12 : memref<2x512xi32, #tpu.memory_space<hbm>>) target_semaphore(%run_scoped3A : memref<!tpu.dma_semaphore, #tpu.memory_space<semaphore_mem>>)
      %dma_wait3A = arith.constant 0 : i32
      %dma_wait3A_13 = arith.constant 0 : i32
      %dma_wait3A_14 = tpu.memref_slice %arg4[%add3A, %dma_wait3A, %dma_wait3A_13] : memref<32x2x512xi32, #tpu.memory_space<hbm>> -> memref<1x2x512xi32, #tpu.memory_space<hbm>>
      %dma_wait3A_15 = tpu.memref_squeeze %dma_wait3A_14 : memref<1x2x512xi32, #tpu.memory_space<hbm>> -> memref<2x512xi32, #tpu.memory_space<hbm>>
      %dma_wait3A_16 = arith.constant 0 : i32
      %dma_wait3A_17 = arith.constant 0 : i32
      %dma_wait3A_18 = tpu.memref_slice %arg4[%add3A, %dma_wait3A_16, %dma_wait3A_17] : memref<32x2x512xi32, #tpu.memory_space<hbm>> -> memref<1x2x512xi32, #tpu.memory_space<hbm>>
      %dma_wait3A_19 = tpu.memref_squeeze %dma_wait3A_18 : memref<1x2x512xi32, #tpu.memory_space<hbm>> -> memref<2x512xi32, #tpu.memory_space<hbm>>
      tpu.wait_dma2 semaphore(%run_scoped3A : memref<!tpu.dma_semaphore, #tpu.memory_space<semaphore_mem>>) src(%arg7 : memref<2x512xi32, #tpu.memory_space<vmem>>) dst(%dma_wait3A_19 : memref<2x512xi32, #tpu.memory_space<hbm>>)
      tpu.yield
    }) : () -> ()
    return
  }
}

module attributes {stable_mosaic.version = 14 : i64} {
  func.func @_logits_body(%arg0: i32, %arg1: memref<1024x2048xf32, #tpu.memory_space<vmem>>, %arg2: memref<2048x16xf32, #tpu.memory_space<vmem>>, %arg3: memref<1x16xf32, #tpu.memory_space<vmem>>, %arg4: memref<2x16x512xf32, #tpu.memory_space<vmem>>) attributes {dimension_semantics = [#tpu.dimension_semantics<parallel>], iteration_bounds = array<i64: 16>, scalar_prefetch = 0 : i64, scratch_operands = 0 : i64, tpu.core_type = #tpu.core_type<tc>, window_params = [{transform_indices = @transform_0, window_bounds = array<i64: 1024, 2048>}, {pipeline_mode = #tpu.pipeline_mode<synchronous>, transform_indices = @transform_1, window_bounds = array<i64: 2048, 16>}, {pipeline_mode = #tpu.pipeline_mode<synchronous>, transform_indices = @transform_2, window_bounds = array<i64: 1, 16>}, {transform_indices = @transform_3, window_bounds = array<i64: 2, 16, 512>}]} {
    %get3A = arith.constant 0 : index
    %get3A_0 = arith.constant 0 : index
    %get3A_1 = vector.load %arg1[%get3A, %get3A_0] : memref<1024x2048xf32, #tpu.memory_space<vmem>>, vector<1024x2048xf32>
    %get3A_2 = arith.constant 0 : index
    %get3A_3 = arith.constant 0 : index
    %get3A_4 = vector.load %arg2[%get3A_2, %get3A_3] : memref<2048x16xf32, #tpu.memory_space<vmem>>, vector<2048x16xf32>
    %dot_general3A = arith.constant dense<0.000000e+00> : vector<1024x16xf32>
    %dot_general3A_5 = tpu.matmul %get3A_1, %get3A_4, %dot_general3A {dimension_numbers = #tpu.dot_dimension_numbers<[1], [0], [0], [1], [0, 0, 1, 1], [], []>, transpose_lhs_hint = false} : vector<1024x2048xf32>, vector<2048x16xf32>, vector<1024x16xf32> -> vector<1024x16xf32>
    %get3A_6 = arith.constant 0 : index
    %get3A_7 = arith.constant 0 : index
    %get3A_8 = vector.load %arg3[%get3A_6, %get3A_7] : memref<1x16xf32, #tpu.memory_space<vmem>>, vector<1x16xf32>
    %add3A = vector.broadcast %get3A_8 : vector<1x16xf32> to vector<1024x16xf32>
    %add3A_9 = arith.addf %dot_general3A_5, %add3A : vector<1024x16xf32>
    %reshape3A = vector.shape_cast %add3A_9 : vector<1024x16xf32> to vector<2x512x16xf32>
    %transpose3A = tpu.transpose %reshape3A, [0, 2, 1] : vector<2x512x16xf32> -> vector<2x16x512xf32>
    %swap3A = arith.constant 0 : index
    %swap3A_10 = arith.constant 0 : index
    %swap3A_11 = arith.constant 0 : index
    %swap3A_12 = vector.load %arg4[%swap3A, %swap3A_10, %swap3A_11] : memref<2x16x512xf32, #tpu.memory_space<vmem>>, vector<2x16x512xf32>
    tpu.vector_store %arg4[%swap3A, %swap3A_10, %swap3A_11], %transpose3A {strides = array<i32>} : memref<2x16x512xf32, #tpu.memory_space<vmem>>, vector<2x16x512xf32>,
    return
  }
  func.func @transform_0(%arg0: i32) -> (i32, i32) {
    %c0_i32 = arith.constant 0 : i32
    %c0_i32_0 = arith.constant 0 : i32
    return %arg0, %c0_i32 : i32, i32
  }
  func.func @transform_1(%arg0: i32) -> (i32, i32) {
    %c0_i32 = arith.constant 0 : i32
    %c0_i32_0 = arith.constant 0 : i32
    %c0_i32_1 = arith.constant 0 : i32
    return %c0_i32, %c0_i32_0 : i32, i32
  }
  func.func @transform_2(%arg0: i32) -> (i32, i32) {
    %c0_i32 = arith.constant 0 : i32
    %c0_i32_0 = arith.constant 0 : i32
    %c0_i32_1 = arith.constant 0 : i32
    return %c0_i32, %c0_i32_0 : i32, i32
  }
  func.func @transform_3(%arg0: i32) -> (i32, i32, i32) {
    %c0_i32 = arith.constant 0 : i32
    %c0_i32_0 = arith.constant 0 : i32
    %c0_i32_1 = arith.constant 0 : i32
    return %arg0, %c0_i32, %c0_i32_0 : i32, i32, i32
  }
}

</mosaic_0001>

<sc_bundles>
// kernel: kernel.4.cloned.1.call-start
scs
__scs_entry_jumppad:
0x0: {  	(pc) =	sbr.rel $0x88, $3  }
0x1: {  	(tag) =	ssettag $0x0;
	lr =	simm.s32 $0x1  }
0x2: {  	[smem:$0x3F9E] =	sst lr;
	_ =	strace $0xD0000000  }
0x3: {  	_ = 	snop  }
0x4: {  	_ = 	snop  }
0x5: {  	_ = 	snop  }
0x6: {  	_ = 	snop  }
0x7: {  	_ = 	snop  }
__scs_overlays_trampoline_lowered:
0x8: {  	[smem:$0x3FAD] =	sst s0  }
0x9: {  	[smem:$0x3FAE] =	sst s1  }
0xa: {  	[smem:$0x3FAF] =	sst s2  }
0xb: {  	[smem:$0x3FB0] =	sst s3  }
0xc: {  	[smem:$0x3FB1] =	sst s4  }
0xd: {  	[smem:$0x3FB2] =	sst s5  }
0xe: {  	[smem:$0x3FB3] =	sst s6  }
0xf: {  	[smem:$0x3FB4] =	sst s7  }
0x10: {  	[smem:$0x3FB5] =	sst s8  }
0x11: {  	[smem:$0x3FB6] =	sst s9;
	s0 =	simm.s32 @!p0 $0x0  }
0x12: {  	s1 =	sld [smem:$0x3F9C];
	s0 =	simm.s32 @p0 $0x1  }
0x13: {  	[smem:$0x3FB7] =	sst s0;
	s0 =	simm.s32 @!p1 $0x0  }
0x14: {  	s2 =	sld [smem:$0x3F9B];
	s0 =	simm.s32 @p1 $0x1  }
0x15: {  	[smem:$0x3FB8] =	sst s0;
	s0 =	simm.s32 @!p2 $0x0  }
0x16: {  	s3 =	sld [smem:$0x3FDB];
	s0 =	simm.s32 @p2 $0x1  }
0x17: {  	s4 =	simm.s32 $0x1BF5;
	[smem:$0x3FBA] =	sst s0  }
0x18: {  	s0 =	sld [smem:$0x3F9D];
	_ =	swait.ge [sflag:s4], $0x0  }
0x19: {  	s7 =	sld [smem:$0x3F9E]  }
0x1a: {  	s8 =	sadd.s32 $0xFFFFE003, lr  }
0x1b: {  	s9 =	sadd.s32 $0xFFFFFEF7, lr;
	s5 =	simm.s32 $0xFFFFFFFF;
	p2 =	slt.u32 s8, $0xFFFFF086  }
0x1c: {  	p1 =	slt.u32 s9, $0xF7A;
	s5 =	simm.s32 @!p2 $0x0  }
0x1d: {  	s5 =	simm.s32 @p1 $0x1;
	p0 =	seq.s32 s7, s2  }
0x1e: {  	s7 =	smul.u32 @!p0 $0xF7A, s2;
	p2 =	seq.s32 @!p0 s5, $0x0  }
0x1f: {  	s9 =	smul.u32 $0xF7A, s1;
	s8 =	simm.s32 @!p0 $0x1BF5;
	p2 =	por !p2, p0  }
0x20: {  	[sflag:s8] =	ssyncset.s32 @!p0 $0xFFFFF086;
	s6 =	sadd.s32 @!p0 s3, s7;
	s7 =	simm.s32 @!p0 $0x108  }
0x21: {  	s3 =	sadd.s32 s3, s9;
	s6 =	sadd.s32 @!p0 $0x88, s6;
	s7 =	simm.s32 @p2 $0x1082  }
0x22: {  	[simem:s7], [sflag:s8] =	dma.local @!p0 [hbm:s6], $0xF7A  }
0x23: {  	s9 =	sor.u32 $0xD0000000, s2;
	s6 =	simm.s32 $0x108;
	_ =	swait.ge @!p0 [sflag:s8], $0x0  }
0x24: {  	s3 =	sadd.s32 $0x88, s3;
	s6 =	simm.s32 @!p1 $0x1082;
	[sflag:s4] =	ssyncset.s32 $0xFFFFF086  }
0x25: {  	[simem:s6], [sflag:s4] =	dma.local [hbm:s3], $0xF7A  }
0x26: {  	[smem:$0x3F9E] =	sst s1;
	(tag) =	ssettag s2;
	_ =	strace s9  }
0x27: {  	s1 =	sld [smem:$0x3FAE]  }
0x28: {  	s2 =	sld [smem:$0x3FAF]  }
0x29: {  	s4 =	sld [smem:$0x3FB1]  }
0x2a: {  	p0 =	seq.s32 s5, $0x0;
	s5 =	sld [smem:$0x3FB2]  }
0x2b: {  	s6 =	sld [smem:$0x3FB3]  }
0x2c: {  	s7 =	sld [smem:$0x3FB4]  }
0x2d: {  	s3 =	simm.s32 $0x108;
	s8 =	sld [smem:$0x3FB5]  }
0x2e: {  	s3 =	simm.s32 @!p0 $0x1082;
	s9 =	sld [smem:$0x3FB6]  }
0x2f: {  	lr =	sadd.s32 s0, s3;
	s0 =	sld [smem:$0x3FAD]  }
0x30: {  	s3 =	sld [smem:$0x3FB0]  }
0x31: {  	[smem:$0x3FB9] =	sst s10  }
0x32: {  	s10 =	sld [smem:$0x3FB7];
	_ =	sdelay $0x3  }
0x33: {  	p0 =	seq.s32 s10, $0x1;
	s10 =	sld [smem:$0x3FB9];
	_ =	sdelay $0x3  }
0x34: {  	[smem:$0x3FB9] =	sst s10  }
0x35: {  	s10 =	sld [smem:$0x3FB8];
	_ =	sdelay $0x3  }
0x36: {  	p1 =	seq.s32 s10, $0x1;
	s10 =	sld [smem:$0x3FB9];
	_ =	sdelay $0x3  }
0x37: {  	[smem:$0x3FB9] =	sst s10  }
0x38: {  	s10 =	sld [smem:$0x3FBA]  }
0x39: {  	_ = 	snop;
	(pc) =	sbr.ind lr, $3  }
0x3a: {  	_ = 	snop  }
0x3b: {  	_ = 	snop  }
0x3c: {  	p2 =	seq.s32 s10, $0x1;
	s10 =	sld [smem:$0x3FB9]  }
0x3d: {  	_ =	shalt  }
0x3e: {  	_ =	shalt  }
0x3f: {  	_ =	shalt  }
0x40: {  	_ =	shalt  }
0x41: {  	_ =	shalt  }
0x42: {  	_ =	shalt  }
0x43: {  	_ =	shalt  }
0x44: {  	_ =	shalt  }
0x45: {  	_ =	shalt  }
0x46: {  	_ =	shalt  }
0x47: {  	_ =	shalt  }
0x48: {  	_ =	shalt  }
0x49: {  	_ =	shalt  }
0x4a: {  	_ =	shalt  }
0x4b: {  	_ =	shalt  }
0x4c: {  	_ =	shalt  }
0x4d: {  	_ =	shalt  }
0x4e: {  	_ =	shalt  }
0x4f: {  	_ =	shalt  }
0x50: {  	_ =	shalt  }
0x51: {  	_ =	shalt  }
0x52: {  	_ =	shalt  }
0x53: {  	_ =	shalt  }
0x54: {  	_ =	shalt  }
0x55: {  	_ =	shalt  }
0x56: {  	_ =	shalt  }
0x57: {  	_ =	shalt  }
0x58: {  	_ =	shalt  }
0x59: {  	_ =	shalt  }
0x5a: {  	_ =	shalt  }
0x5b: {  	_ =	shalt  }
0x5c: {  	_ =	shalt  }
0x5d: {  	_ =	shalt  }
0x5e: {  	_ =	shalt  }
0x5f: {  	_ =	shalt  }
0x60: {  	_ =	shalt  }
0x61: {  	_ =	shalt  }
0x62: {  	_ =	shalt  }
0x63: {  	_ =	shalt  }
0x64: {  	_ =	shalt  }
0x65: {  	_ =	shalt  }
0x66: {  	_ =	shalt  }
0x67: {  	_ =	shalt  }
0x68: {  	_ =	shalt  }
0x69: {  	_ =	shalt  }
0x6a: {  	_ =	shalt  }
0x6b: {  	_ =	shalt  }
0x6c: {  	_ =	shalt  }
0x6d: {  	_ =	shalt  }
0x6e: {  	_ =	shalt  }
0x6f: {  	_ =	shalt  }
0x70: {  	_ =	shalt  }
0x71: {  	_ =	shalt  }
0x72: {  	_ =	shalt  }
0x73: {  	_ =	shalt  }
0x74: {  	_ =	shalt  }
0x75: {  	_ =	shalt  }
0x76: {  	_ =	shalt  }
0x77: {  	_ =	shalt  }
0x78: {  	_ =	shalt  }
0x79: {  	_ =	shalt  }
0x7a: {  	_ =	shalt  }
0x7b: {  	_ =	shalt  }
0x7c: {  	_ =	shalt  }
0x7d: {  	_ =	shalt  }
0x7e: {  	_ =	shalt  }
0x7f: {  	_ =	shalt  }
0x80: {  	_ =	shalt  }
0x81: {  	_ =	shalt  }
0x82: {  	_ =	shalt  }
0x83: {  	_ =	shalt  }
0x84: {  	_ =	shalt  }
0x85: {  	_ =	shalt  }
0x86: {  	_ =	shalt  }
0x87: {  	_ =	shalt  }
.Lfunc_end0:
.L_simem_size_0:
called_computation_lowered:
.L_overlay_start_0:
0x88: {  	s2 =	sld [smem:$0x3FD9]  }
0x89: {  	s3 =	sld [smem:$0x3FFE];
	_ =	sdelay $0x1  }
0x8a: {  	s1 =	srdreg.scid  }
0x8b: {  	s0 =	sand.u32 $0x1, s1  }
0x8c: {  	s14 =	sshll.u32 s0, $0xA;
	s2 =	sadd.s32 s3, s2  }
0x8d: {  	s2 =	sadd.s32 s2, s14  }
0x8e: {  	[smem:$0x3FC5] =	sst s2  }
0x8f: {  	_ = 	snop  }
0x90: {  	s2 =	sld [smem:$0x3FD0];
	_ =	sdelay $0x2  }
0x91: {  	s15 =	simm.s32 $0xA;
	s4 =	simm.s32 $0x10  }
0x92: {  	[smem:s4], [sflag:s15] =	dma.local [hbm:s2], $0x1  }
0x93: {  	_ =	swait.eq [sflag:s15], $0x1  }
0x94: {  	[sflag:s15] =	ssyncset.done $0x0  }
0x95: {  	s16 =	sld [smem:$0x10];
	[sflag:s15] =	ssyncadd.s32 $0xFFFFFFFF  }
0x96: {  	s17 =	sld [smem:$0x11];
	(tm) =	ssettm $0x1  }
0x97: {  	s18 =	sld [smem:$0x3FFB];
	_ =	sdelay $0x3  }
0x98: {  	_ =	strace s18  }
0x99: {  	s4 =	sld [smem:$0x3FFC];
	_ =	sdelay $0x3  }
0x9a: {  	_ =	strace s4  }
0x9b: {  	s4 =	sld [smem:$0x3FFD];
	_ =	sdelay $0x3  }
0x9c: {  	_ =	strace s4  }
0x9d: {  	_ =	strace $0x8FFFFFFF  }
0x9e: {  	s19 =	sld [smem:$0x3FDB];
	_ =	sdelay $0x1  }
0x9f: {  	s5 =	simm.s32 $_scs_section_size  }
0xa0: {  	s6 =	simm.s32 $_size__tile_overlayer_lowered;
	s7 =	simm.s32 $_tile_overlayer_lowered  }
0xa1: {  	s22 =	simm.s32 $0x1BFF;
	s21 =	sshll.u32 s7, $0x1;
	s4 =	sadd.s32 s5, s19  }
0xa2: {  	s8 =	simm.s32 $0x0;
	s20 =	sshll.u32 s6, $0x1;
	s6 =	sadd.s32 s21, s4  }
0xa3: {  	[timem:s8], [sflag:s22] =	dma.local [hbm:s6], s20  }
0xa4: {  	_ =	swait.ge [sflag:s22], s20  }
0xa5: {  	s5 =	ssub.s32 $0x0, s20;
	[sflag:s22] =	ssyncset.done $0x0  }
0xa6: {  	[sflag:s22] =	ssyncadd.s32 s5;
	_ =	sdelay $0x1  }
0xa7: {  	s23 =	simm.s32 $0x1B8B  }
0xa8: {  	_ =	swait.ge [sflag:s23], $0x1  }
0xa9: {  	[sflag:s23] =	ssyncset.done $0x0  }
0xaa: {  	s25 =	simm.s32 $0x1B8E;
	s24 =	sld [smem:$0x3FFE];
	[sflag:s23] =	ssyncadd.s32 $0xFFFFFFFF  }
0xab: {  	s26 =	simm.s32 $execute0_lowered;
	[smem:$0x3FD2] =	sst s25  }
0xac: {  	s6 =	sshll.u32 s26, $0x1;
	_ =	strace $0x80000046;
	[dreg:$0x1] =	wrdreg $0xFFFFFFFF  }
0xad: {  	s28 =	simm.s32 $_size_execute0_lowered;
	s4 =	sadd.s32 s4, s6;
	[dreg:$0x0] =	wrdreg $0x0  }
0xae: {  	s6 =	sshll.u32 s28, $0x1;
	[dreg:$0x2] =	wrdreg s4  }
0xaf: {  	[dreg:$0x3] =	wrdreg s6  }
0xb0: {  	[dreg:$0x4] =	wrdreg $0xC0  }
0xb1: {  	_ =	task [dreg:s8], $0x5FFFF  }
0xb2: {  	[dreg:$0x1] =	wrdreg $0xFFFFFFFF  }
0xb3: {  	[dreg:$0x0] =	wrdreg $0x60  }
0xb4: {  	[dreg:$0x2] =	wrdreg s24  }
0xb5: {  	[dreg:$0x3] =	wrdreg s16  }
0xb6: {  	[dreg:$0x4] =	wrdreg s17  }
0xb7: {  	[dreg:$0x5] =	wrdreg $0x9  }
0xb8: {  	_ =	task.clear_ibuf [dreg:s8], $0x6FFFF;
	_ =	strace $0x90000046  }
0xb9: {  	s29 =	simm.s32 $0x9;
	_ =	strace $0x80000048  }
0xba: {  	_ =	swait.ge [sflag:s29], $0x1  }
0xbb: {  	[sflag:s29] =	ssyncadd.s32 $0xFFFFFFFF  }
0xbc: {  	_ =	strace $0x90000048  }
0xbd: {  	_ =	sfence  }
0xbe: {  	s30 =	sld [smem:$0x0];
	_ =	sdelay $0x2  }
0xbf: {  	s31 =	sshll.u32 s1, $0xD;
	s1 =	sshrl.u32 s1, $0x2  }
0xc0: {  	s3 =	sand.u32 $0x4000, s31;
	s1 =	sadd.s32 s1, s30  }
0xc1: {  	s0 =	sor.u32 s3, s0;
	s1 =	sshll.u32 s1, $0x11  }
0xc2: {  	s0 =	sor.u32 s1, s0  }
0xc3: {  	s0 =	sadd.s32 $0x8F2B, s0  }
0xc4: {  	[sflag:s0] =	ssyncadd.remote.s32 $0x1  }
0xc5: {  	_ =	sfence.sel $0xFFFF  }
0xc6: {  	[dreg:$0x0] =	wrdreg $0xFFFFFFFF;
	(pc) =	sbr.abs _section_cstart, $3  }
0xc7: {  	[dreg:$0x1] =	wrdreg $0xFFFFFFFF  }
0xc8: {  	_ =	task.clear_ibuf [dreg:s8], $0x2FFFF;
	_ =	strace $0x9FFFFFFF  }
0xc9: {  	(tm) =	ssettm $0x7FFFFFFF  }
tec
execute0_lowered:
.L_overlay_start_1:
0x0: {  	(tag) =	ssettag $0x1  }
0x1: {  	s3 =	rddreg [dreg:$0x0]  }
0x2: {  	s4 =	rddreg [dreg:$0x1]  }
0x3: {  	s5 =	rddreg [dreg:$0x2]  }
0x4: {  	s0 =	rddreg [dreg:$0x3];
	s6 =	srdreg.scid  }
0x5: {  	s1 =	stileid.u32;
	s2 =	simm.s32 $0x0;
	s9 =	simm.s32 $0x2400  }
0x6: {  	s10 =	simm.s32 $0x0;
	s6 =	sand.u32 $0x1, s6;
	s7 =	sshll.u32 s1, $0x1  }
0x7: {  	[smem:$0x7FF] =	sst s2;
	s7 =	sor.u32 s6, s7;
	s6 =	ssub.s32 $0x2, s6  }
0x8: {  	_ =	strace $0x80000047;
	s8 =	sshll.u32 s7, $0xA;
	s31 =	sshrl.u32 s6, $0x1  }
0x9: {  	s7 =	sshll.u32 s7, $0x7;
	s3 =	sadd.s32 s8, s3;
	s6 =	ssub.s32 s6, s31  }
0xa: {  	s4 =	sadd.s32 s4, s7;
	s5 =	sadd.s32 s5, s7;
	s7 =	simm.s32 $0x1  }
0xb: {  	v0 =	vimm.s32 $0x0;
	s8 =	simm.s32 $0x2000;
	s3 =	sadd.s32 $0xC00, s3;
	s6 =	smax.u32 s6, $0x1  }
.LBB2_1:
0xc: {  	[tilespmem:s2], [sflag:$0x1] =	stream.linear.gather [hbm4b:s3+s2], $0x2000, $0x38;
	[tilespmem:$0x2800] =	vst v63  }
0xd: {  	s12 =	simm.s32 $0x0;
	_ =	swait.ge [sflag:s7], $0x2000  }
0xe: {  	s11 =	sand.u32 $0x70, s2;
	s12 =	sand.u32 $0x3FFFFC00, s12;
	[sflag:s7] =	ssyncset.done $0x0  }
0xf: {  	s12 =	sor.u32 s11, s12;
	[sflag:s7] =	ssyncadd.s32 $0xFFFFE000  }
0x10: {  	v1 =	vld [tilespmem:s12+$0x80]  }
0x11: {  	v2 =	vld [tilespmem:s12+$0x0];
	_ =	sdelay $0x2  }
0x12: {  	v3 =	vld [tilespmem:s12+$0x100]  }
0x13: {  	vm0 =	vlt.f32 v1, $-Inf;
	vm1 =	vgt.f32 v1, $-Inf  }
0x14: {  	vm12 =	vgt.f32 v1, v2;
	vm14 =	vmor vm1, vm0  }
0x15: {  	v5 =	vld [tilespmem:s12+$0x180];
	vm0 =	vmneg vm12;
	v4 =	vnsel vm14, $0xFF800000, v1  }
0x16: {  	v4 =	vsel vm0, v4, v2  }
0x17: {  	v1 =	vsel vm0, v2, v1;
	vm15 =	vgt.f32 v3, v4  }
0x18: {  	vm9 =	vgt.f32 v3, v1;
	v2 =	vsel vm15, v3, v4  }
0x19: {  	v44 =	vld [tilespmem:s12+$0x200];
	v2 =	vsel vm9, v1, v2  }
0x1a: {  	v1 =	vsel vm9, v3, v1;
	v3 =	vimm.s32 $0x0;
	vm4 =	vgt.f32 v5, v2  }
0x1b: {  	v3 =	vsel vm4, $0xFFFFFFFF, v3  }
0x1c: {  	vm11 =	vgt.f32 v5, v1;
	v2 =	vsel vm4, v5, v2;
	[tilespmem:$0x1FF50] =	vst v3;
	v3 =	vld [tilespmem:s12+$0x280]  }
0x1d: {  	v2 =	vsel vm11, v1, v2  }
0x1e: {  	v1 =	vsel vm11, v5, v1;
	vm5 =	vgt.f32 v44, v2  }
0x1f: {  	v46 =	vld [tilespmem:s12+$0x300];
	vm8 =	vgt.f32 v44, v1;
	v2 =	vsel vm5, v44, v2  }
0x20: {  	v2 =	vsel vm8, v1, v2  }
0x21: {  	v1 =	vsel vm8, v44, v1;
	vm13 =	vgt.f32 v3, v2  }
0x22: {  	v45 =	vimm.s32 $0x0;
	vm7 =	vgt.f32 v3, v1;
	v2 =	vsel vm13, v3, v2  }
0x23: {  	v48 =	vld [tilespmem:s12+$0x380];
	v5 =	vsel vm5, $0xFFFFFFFF, v45;
	v2 =	vsel vm7, v1, v2  }
0x24: {  	v1 =	vsel vm7, v3, v1;
	v3 =	vimm.s32 $0x0;
	vm5 =	vgt.f32 v46, v2  }
0x25: {  	v3 =	vsel vm5, $0xFFFFFFFF, v3  }
0x26: {  	vm10 =	vgt.f32 v46, v1;
	v2 =	vsel vm5, v46, v2;
	[tilespmem:$0x1FF80] =	vst v3;
	v3 =	vld [tilespmem:s12+$0x1000]  }
0x27: {  	v2 =	vsel vm10, v1, v2  }
0x28: {  	v47 =	vimm.s32 $0x0;
	v1 =	vsel vm10, v46, v1;
	vm6 =	vgt.f32 v48, v2  }
0x29: {  	v50 =	vld [tilespmem:s12+$0x1080];
	v4 =	vsel vm13, $0xFFFFFFFF, v47;
	vm13 =	vgt.f32 v48, v1;
	v2 =	vsel vm6, v48, v2  }
0x2a: {  	v2 =	vsel vm13, v1, v2  }
0x2b: {  	v49 =	vimm.s32 $0x0;
	v1 =	vsel vm13, v48, v1;
	vm4 =	vgt.f32 v3, v2  }
0x2c: {  	[tilespmem:$0x1FF60] =	vst v5;
	v5 =	vsel vm6, $0xFFFFFFFF, v49;
	vm6 =	vgt.f32 v3, v1;
	v2 =	vsel vm4, v3, v2  }
0x2d: {  	v52 =	vld [tilespmem:s12+$0x1100];
	v2 =	vsel vm6, v1, v2  }
0x2e: {  	v1 =	vsel vm6, v3, v1;
	v3 =	vimm.s32 $0x0;
	vm5 =	vgt.f32 v50, v2  }
0x2f: {  	v3 =	vsel vm5, $0xFFFFFFFF, v3  }
0x30: {  	v2 =	vsel vm5, v50, v2;
	vm5 =	vgt.f32 v50, v1;
	[tilespmem:$0x1FFB0] =	vst v3;
	v3 =	vld [tilespmem:s12+$0x1180]  }
0x31: {  	v51 =	vimm.s32 $0x0;
	v53 =	vimm.s32 $0x0;
	v2 =	vsel vm5, v1, v2  }
0x32: {  	[tilespmem:$0x1FF70] =	vst v4;
	v4 =	vsel vm4, $0xFFFFFFFF, v51;
	v1 =	vsel vm5, v50, v1;
	vm4 =	vgt.f32 v52, v2  }
0x33: {  	v54 =	vld [tilespmem:s12+$0x1200];
	[tilespmem:$0x1FF90] =	vst v5;
	v5 =	vsel vm4, $0xFFFFFFFF, v53;
	v2 =	vsel vm4, v52, v2;
	vm4 =	vgt.f32 v52, v1  }
0x34: {  	v2 =	vsel vm4, v1, v2  }
0x35: {  	v1 =	vsel vm4, v52, v1;
	vm1 =	vgt.f32 v3, v2  }
0x36: {  	v55 =	vimm.s32 $0x0;
	vm3 =	vgt.f32 v3, v1;
	v2 =	vsel vm1, v3, v2  }
0x37: {  	v56 =	vld [tilespmem:s12+$0x1280];
	[tilespmem:$0x1FFA0] =	vst v4;
	v4 =	vsel vm1, $0xFFFFFFFF, v55;
	v2 =	vsel vm3, v1, v2  }
0x38: {  	v1 =	vsel vm3, v3, v1;
	v3 =	vimm.s32 $0x0;
	vm1 =	vgt.f32 v54, v2  }
0x39: {  	v3 =	vsel vm1, $0xFFFFFFFF, v3  }
0x3a: {  	vm2 =	vgt.f32 v54, v1;
	v2 =	vsel vm1, v54, v2;
	[tilespmem:$0x1FFE0] =	vst v3;
	v3 =	vld [tilespmem:s12+$0x1300]  }
0x3b: {  	v2 =	vsel vm2, v1, v2  }
0x3c: {  	v57 =	vimm.s32 $0x0;
	v60 =	vld [tilespmem:$0x1FF50];
	v1 =	vsel vm2, v54, v1;
	vm1 =	vgt.f32 v56, v2  }
0x3d: {  	v58 =	vld [tilespmem:s12+$0x1380];
	[tilespmem:$0x1FFC0] =	vst v5;
	v5 =	vsel vm1, $0xFFFFFFFF, v57;
	v2 =	vsel vm1, v56, v2;
	vm1 =	vgt.f32 v56, v1  }
0x3e: {  	v6 =	vsel vm12, $0x1, v0;
	v2 =	vsel vm1, v1, v2  }
0x3f: {  	vm0 =	vmand vm0, vm14;
	v1 =	vsel vm1, v56, v1;
	vm14 =	vgt.f32 v3, v2  }
0x40: {  	v59 =	vsel vm0, $0x1, v0;
	v61 =	vld [tilespmem:$0x1FF60];
	vm0 =	vgt.f32 v3, v1;
	v2 =	vsel vm14, v3, v2  }
0x41: {  	[tilespmem:$0x1FFD0] =	vst v4;
	v4 =	vsel vm15, $0x2, v59;
	vm15 =	vnez.u8 v60;
	v2 =	vsel vm0, v1, v2  }
0x42: {  	v62 =	vld [tilespmem:$0x1FF70];
	v4 =	vsel vm9, v6, v4;
	v1 =	vsel vm0, v3, v1;
	vm12 =	vgt.f32 v58, v2  }
0x43: {  	v3 =	vsel vm9, $0x2, v6;
	vm9 =	vgt.f32 v58, v1;
	v2 =	vsel vm12, v58, v2  }
0x44: {  	v4 =	vsel vm15, $0x3, v4;
	v2 =	vsel vm9, v1, v2;
	v1 =	vsel vm9, v58, v1  }
0x45: {  	vm15 =	vnez.u8 v61;
	v1 =	vsub.f32 v2, v1;
	v2 =	vsel vm11, v3, v4  }
0x46: {  	v3 =	vsel vm11, $0x3, v3;
	v2 =	vsel vm15, $0x4, v2  }
0x47: {  	vm15 =	vnez.u8 v62;
	v2 =	vsel vm8, v3, v2;
	v1 =	vmul.f32 $1.442695020e+00, v1  }
0x48: {  	v3 =	vsel vm8, $0x4, v3;
	v2 =	vsel vm15, $0x5, v2  }
0x49: {  	(erf) = vpow2.f32 v1;
	v1 =	vsel vm7, v3, v2;
	v2 =	vsel vm7, $0x5, v3;
	v3 =	vld [tilespmem:$0x1FF80];
	_ =	sdelay $0x4  }
0x4a: {  	vm15 =	vnez.u8 v3;
	v3 =	vld [tilespmem:$0x1FF90];
	_ =	sdelay $0x4  }
0x4b: {  	vm11 =	vnez.u8 v3;
	v3 =	vld [tilespmem:$0x1FFA0];
	_ =	sdelay $0x1  }
0x4c: {  	v1 =	vsel vm15, $0x6, v1  }
0x4d: {  	v1 =	vsel vm10, v2, v1  }
0x4e: {  	v2 =	vsel vm10, $0x6, v2;
	v1 =	vsel vm11, $0x7, v1  }
0x4f: {  	v1 =	vsel vm13, v2, v1;
	v2 =	vsel vm13, $0x7, v2;
	vm13 =	vnez.u8 v3;
	v3 =	vld [tilespmem:$0x1FFB0];
	_ =	sdelay $0x4  }
0x50: {  	vm15 =	vnez.u8 v3;
	v3 =	vld [tilespmem:$0x1FFC0];
	_ =	sdelay $0x4  }
0x51: {  	vm10 =	vnez.u8 v3;
	v3 =	vpop (erf)  }
0x52: {  	v3 =	vadd.f32 $1.000000000e+00, v3;
	_ =	sdelay $0x1  }
0x53: {  	(erf) = vrcp.f32 v3;
	v3 =	vld [tilespmem:$0x1FFE0]  }
0x54: {  	v63 =	vld [tilespmem:$0x1FFD0];
	v1 =	vsel vm13, $0x8, v1  }
0x55: {  	v1 =	vsel vm6, v2, v1  }
0x56: {  	v2 =	vsel vm6, $0x8, v2;
	v1 =	vsel vm15, $0x9, v1  }
0x57: {  	[tilespmem:$0x1FFF0] =	vst v5;
	v1 =	vsel vm5, v2, v1  }
0x58: {  	v2 =	vsel vm5, $0x9, v2;
	v1 =	vsel vm10, $0xA, v1;
	vm13 =	vnez.u8 v3;
	v3 =	vld [tilespmem:$0x1FFF0]  }
0x59: {  	vm11 =	vnez.u8 v63;
	v1 =	vsel vm4, v2, v1  }
0x5a: {  	v2 =	vsel vm4, $0xA, v2;
	v1 =	vsel vm11, $0xB, v1  }
0x5b: {  	v1 =	vsel vm3, v2, v1  }
0x5c: {  	v2 =	vsel vm3, $0xB, v2;
	v1 =	vsel vm13, $0xC, v1  }
0x5d: {  	v1 =	vsel vm2, v2, v1;
	vm15 =	vnez.u8 v3  }
0x5e: {  	v2 =	vsel vm2, $0xC, v2;
	v1 =	vsel vm15, $0xD, v1  }
0x5f: {  	v1 =	vsel vm1, v2, v1  }
0x60: {  	v2 =	vsel vm1, $0xD, v2;
	v1 =	vsel vm14, $0xE, v1  }
0x61: {  	v1 =	vsel vm0, v2, v1  }
0x62: {  	s31 =	simm.s32 $0x0;
	v2 =	vsel vm0, $0xE, v2;
	v1 =	vsel vm12, $0xF, v1  }
0x63: {  	s12 =	sand.u32 $0xFFFFFF00, s31;
	v1 =	vsel vm9, v2, v1  }
0x64: {  	s15 =	sor.u32 s11, s12;
	v3 =	vsel vm9, $0xF, v2  }
0x65: {  	[tilespmem:s15+$0x2400] =	vst v3  }
0x66: {  	s16 =	simm.s32 $0x80;
	s13 =	simm.s32 $0x10;
	s14 =	simm.s32 $0x2;
	[tilespmem:s15+$0x2480] =	vst v1;
	v1 =	vpop (erf)  }
0x67: {  	s16 =	sand.u32 $0x3FFFFC00, s16;
	s11 =	simm.s32 $0x1;
	s12 =	sand.u32 $0x70, s13;
	[tilespmem:s15+$0x2000] =	vst v1;
	v1 =	vsub.f32 $1.000000000e+00, v1  }
.LBB2_2:
0x68: {  	p0 =	sne.s32 s14, $0x1F  }
0x69: {  	s16 =	sor.u32 s12, s16;
	[tilespmem:s15+$0x2080] =	vst v1;
	s15 =	smov.u32 s14;
	s14 =	sadd.s32 $0x1, s14  }
0x6a: {  	v1 =	vld [tilespmem:s16+$0x80]  }
0x6b: {  	v2 =	vld [tilespmem:s16+$0x0];
	_ =	sdelay $0x2  }
0x6c: {  	v3 =	vld [tilespmem:s16+$0x100]  }
0x6d: {  	vm0 =	vlt.f32 v1, $-Inf;
	vm1 =	vgt.f32 v1, $-Inf  }
0x6e: {  	vm2 =	vgt.f32 v1, v2;
	vm0 =	vmor vm1, vm0  }
0x6f: {  	vm1 =	vmneg vm2;
	v4 =	vnsel vm0, $0xFF800000, v1;
	v5 =	vld [tilespmem:s16+$0x180]  }
0x70: {  	v4 =	vsel vm1, v4, v2;
	vm0 =	vmand vm1, vm0;
	v1 =	vsel vm1, v2, v1  }
0x71: {  	v6 =	vsel vm2, $0x1, v0;
	v2 =	vsel vm0, $0x1, v0;
	vm0 =	vgt.f32 v3, v4  }
0x72: {  	vm1 =	vgt.f32 v3, v1;
	v4 =	vsel vm0, v3, v4;
	v2 =	vsel vm0, $0x2, v2;
	v7 =	vld [tilespmem:s16+$0x200]  }
0x73: {  	v4 =	vsel vm1, v1, v4;
	v2 =	vsel vm1, v6, v2;
	v1 =	vsel vm1, v3, v1  }
0x74: {  	v3 =	vsel vm1, $0x2, v6;
	vm0 =	vgt.f32 v5, v4  }
0x75: {  	vm1 =	vgt.f32 v5, v1;
	v4 =	vsel vm0, v5, v4;
	v2 =	vsel vm0, $0x3, v2;
	v6 =	vld [tilespmem:s16+$0x280]  }
0x76: {  	v4 =	vsel vm1, v1, v4;
	v2 =	vsel vm1, v3, v2;
	v1 =	vsel vm1, v5, v1  }
0x77: {  	v3 =	vsel vm1, $0x3, v3;
	vm0 =	vgt.f32 v7, v4  }
0x78: {  	vm1 =	vgt.f32 v7, v1;
	v4 =	vsel vm0, v7, v4;
	v2 =	vsel vm0, $0x4, v2;
	v5 =	vld [tilespmem:s16+$0x300]  }
0x79: {  	v4 =	vsel vm1, v1, v4;
	v2 =	vsel vm1, v3, v2  }
0x7a: {  	v1 =	vsel vm1, v7, v1;
	v3 =	vsel vm1, $0x4, v3;
	vm0 =	vgt.f32 v6, v4  }
0x7b: {  	vm1 =	vgt.f32 v6, v1;
	v4 =	vsel vm0, v6, v4;
	v2 =	vsel vm0, $0x5, v2;
	v7 =	vld [tilespmem:s16+$0x380]  }
0x7c: {  	v4 =	vsel vm1, v1, v4;
	v2 =	vsel vm1, v3, v2  }
0x7d: {  	v1 =	vsel vm1, v6, v1;
	v3 =	vsel vm1, $0x5, v3;
	vm0 =	vgt.f32 v5, v4  }
0x7e: {  	vm1 =	vgt.f32 v5, v1;
	v4 =	vsel vm0, v5, v4;
	v2 =	vsel vm0, $0x6, v2;
	v6 =	vld [tilespmem:s16+$0x1000]  }
0x7f: {  	v4 =	vsel vm1, v1, v4;
	v2 =	vsel vm1, v3, v2;
	v1 =	vsel vm1, v5, v1  }
0x80: {  	v3 =	vsel vm1, $0x6, v3;
	vm0 =	vgt.f32 v7, v4  }
0x81: {  	vm1 =	vgt.f32 v7, v1;
	v4 =	vsel vm0, v7, v4;
	v2 =	vsel vm0, $0x7, v2;
	v5 =	vld [tilespmem:s16+$0x1080]  }
0x82: {  	v4 =	vsel vm1, v1, v4;
	v2 =	vsel vm1, v3, v2;
	v1 =	vsel vm1, v7, v1  }
0x83: {  	vm0 =	vgt.f32 v6, v4  }
0x84: {  	v3 =	vsel vm1, $0x7, v3;
	vm1 =	vgt.f32 v6, v1;
	v4 =	vsel vm0, v6, v4;
	v7 =	vld [tilespmem:s16+$0x1100]  }
0x85: {  	v2 =	vsel vm0, $0x8, v2;
	v8 =	vsel vm1, $0x8, v3;
	v4 =	vsel vm1, v1, v4  }
0x86: {  	v2 =	vsel vm1, v3, v2;
	v1 =	vsel vm1, v6, v1;
	vm0 =	vgt.f32 v5, v4  }
0x87: {  	vm1 =	vgt.f32 v5, v1;
	v3 =	vsel vm0, v5, v4;
	v2 =	vsel vm0, $0x9, v2;
	v4 =	vld [tilespmem:s16+$0x1180]  }
0x88: {  	v3 =	vsel vm1, v1, v3;
	v2 =	vsel vm1, v8, v2  }
0x89: {  	v1 =	vsel vm1, v5, v1;
	v5 =	vsel vm1, $0x9, v8;
	vm0 =	vgt.f32 v7, v3  }
0x8a: {  	vm1 =	vgt.f32 v7, v1;
	v3 =	vsel vm0, v7, v3;
	v2 =	vsel vm0, $0xA, v2;
	v6 =	vld [tilespmem:s16+$0x1200]  }
0x8b: {  	v3 =	vsel vm1, v1, v3;
	v2 =	vsel vm1, v5, v2;
	v5 =	vsel vm1, $0xA, v5  }
0x8c: {  	v1 =	vsel vm1, v7, v1;
	vm0 =	vgt.f32 v4, v3  }
0x8d: {  	vm1 =	vgt.f32 v4, v1;
	v3 =	vsel vm0, v4, v3;
	v2 =	vsel vm0, $0xB, v2;
	v7 =	vld [tilespmem:s16+$0x1280]  }
0x8e: {  	v3 =	vsel vm1, v1, v3;
	v2 =	vsel vm1, v5, v2  }
0x8f: {  	v1 =	vsel vm1, v4, v1;
	v4 =	vsel vm1, $0xB, v5;
	vm0 =	vgt.f32 v6, v3  }
0x90: {  	vm1 =	vgt.f32 v6, v1;
	v3 =	vsel vm0, v6, v3;
	v2 =	vsel vm0, $0xC, v2;
	v5 =	vld [tilespmem:s16+$0x1300]  }
0x91: {  	v3 =	vsel vm1, v1, v3;
	v1 =	vsel vm1, v6, v1;
	v6 =	vsel vm1, $0xC, v4  }
0x92: {  	v2 =	vsel vm1, v4, v2;
	vm0 =	vgt.f32 v7, v3  }
0x93: {  	vm1 =	vgt.f32 v7, v1;
	v3 =	vsel vm0, v7, v3;
	v2 =	vsel vm0, $0xD, v2;
	v4 =	vld [tilespmem:s16+$0x1380]  }
0x94: {  	v3 =	vsel vm1, v1, v3;
	v2 =	vsel vm1, v6, v2;
	v6 =	vsel vm1, $0xD, v6  }
0x95: {  	v1 =	vsel vm1, v7, v1;
	vm0 =	vgt.f32 v5, v3  }
0x96: {  	vm1 =	vgt.f32 v5, v1;
	v3 =	vsel vm0, v5, v3;
	v2 =	vsel vm0, $0xE, v2  }
0x97: {  	v3 =	vsel vm1, v1, v3;
	v2 =	vsel vm1, v6, v2;
	v6 =	vsel vm1, $0xE, v6  }
0x98: {  	s16 =	sshll.u32 s11, $0x5;
	s11 =	smov.u32 s15;
	v1 =	vsel vm1, v5, v1;
	vm0 =	vgt.f32 v4, v3  }
0x99: {  	s15 =	sand.u32 $0xFFFFFF00, s16;
	vm1 =	vgt.f32 v4, v1;
	v3 =	vsel vm0, v4, v3;
	v2 =	vsel vm0, $0xF, v2  }
0x9a: {  	s15 =	sor.u32 s12, s15;
	v3 =	vsel vm1, v1, v3;
	v1 =	vsel vm1, v4, v1;
	v4 =	vsel vm1, $0xF, v6  }
0x9b: {  	v2 =	vsel vm1, v6, v2;
	v1 =	vsub.f32 v3, v1;
	[tilespmem:s15+$0x2400] =	vst v4  }
0x9c: {  	[tilespmem:s15+$0x2480] =	vst v2  }
0x9d: {  	v1 =	vmul.f32 $1.442695020e+00, v1;
	_ =	sdelay $0x1  }
0x9e: {  	(erf) = vpow2.f32 v1;
	_ =	sdelay $0x8  }
0x9f: {  	v1 =	vpop (erf)  }
0xa0: {  	v1 =	vadd.f32 $1.000000000e+00, v1;
	_ =	sdelay $0x1  }
0xa1: {  	(erf) = vrcp.f32 v1;
	_ =	sdelay $0x6  }
.Ltmp0:
0xa2: {  	(pc) =	sbr.rel @p0 .LBB2_2-.Ltmp0, $4  }
0xa3: {  	_ = 	snop  }
0xa4: {  	v1 =	vpop (erf)  }
0xa5: {  	s13 =	sadd.s32 $0x10, s13;
	s16 =	sshll.u32 s11, $0x7;
	[tilespmem:s15+$0x2000] =	vst v1;
	v1 =	vsub.f32 $1.000000000e+00, v1  }
0xa6: {  	s12 =	sand.u32 $0x70, s13;
	s16 =	sand.u32 $0x3FFFFC00, s16  }
0xa7: {  	s13 =	sor.u32 s12, s16;
	[tilespmem:s15+$0x2080] =	vst v1  }
0xa8: {  	v1 =	vld [tilespmem:s13+$0x80]  }
0xa9: {  	v2 =	vld [tilespmem:s13+$0x0];
	_ =	sdelay $0x2  }
0xaa: {  	v3 =	vld [tilespmem:s13+$0x100]  }
0xab: {  	vm0 =	vlt.f32 v1, $-Inf;
	vm1 =	vgt.f32 v1, $-Inf  }
0xac: {  	v4 =	vimm.s32 $0x0;
	vm14 =	vgt.f32 v1, v2;
	vm0 =	vmor vm1, vm0  }
0xad: {  	vm10 =	vmneg vm14;
	v4 =	vsel vm0, $0xFFFFFFFF, v4;
	v40 =	vnsel vm0, $0xFF800000, v1  }
0xae: {  	v5 =	vld [tilespmem:s13+$0x180];
	[tilespmem:$0x1FE80] =	vst v4;
	v4 =	vsel vm10, v40, v2  }
0xaf: {  	v1 =	vsel vm10, v2, v1;
	v2 =	vimm.s32 $0x0;
	vm6 =	vgt.f32 v3, v4  }
0xb0: {  	v2 =	vsel vm6, $0xFFFFFFFF, v2  }
0xb1: {  	vm12 =	vgt.f32 v3, v1;
	[tilespmem:$0x1FE90] =	vst v2;
	v2 =	vsel vm6, v3, v4  }
0xb2: {  	v41 =	vld [tilespmem:s13+$0x200];
	v2 =	vsel vm12, v1, v2  }
0xb3: {  	v1 =	vsel vm12, v3, v1;
	v3 =	vimm.s32 $0x0;
	vm7 =	vgt.f32 v5, v2  }
0xb4: {  	v3 =	vsel vm7, $0xFFFFFFFF, v3  }
0xb5: {  	vm9 =	vgt.f32 v5, v1;
	v2 =	vsel vm7, v5, v2;
	[tilespmem:$0x1FEA0] =	vst v3;
	v3 =	vld [tilespmem:s13+$0x280]  }
0xb6: {  	v2 =	vsel vm9, v1, v2  }
0xb7: {  	v1 =	vsel vm9, v5, v1;
	vm13 =	vgt.f32 v41, v2  }
0xb8: {  	v43 =	vld [tilespmem:s13+$0x300];
	vm8 =	vgt.f32 v41, v1;
	v2 =	vsel vm13, v41, v2  }
0xb9: {  	v2 =	vsel vm8, v1, v2  }
0xba: {  	v1 =	vsel vm8, v41, v1;
	vm15 =	vgt.f32 v3, v2  }
0xbb: {  	vm7 =	vgt.f32 v3, v1;
	v2 =	vsel vm15, v3, v2  }
0xbc: {  	v45 =	vld [tilespmem:s13+$0x380];
	v2 =	vsel vm7, v1, v2  }
0xbd: {  	v1 =	vsel vm7, v3, v1;
	v3 =	vimm.s32 $0x0;
	vm4 =	vgt.f32 v43, v2  }
0xbe: {  	v3 =	vsel vm4, $0xFFFFFFFF, v3  }
0xbf: {  	vm11 =	vgt.f32 v43, v1;
	v2 =	vsel vm4, v43, v2;
	[tilespmem:$0x1FED0] =	vst v3;
	v3 =	vld [tilespmem:s13+$0x1000]  }
0xc0: {  	v2 =	vsel vm11, v1, v2  }
0xc1: {  	v42 =	vimm.s32 $0x0;
	v1 =	vsel vm11, v43, v1;
	vm5 =	vgt.f32 v45, v2  }
0xc2: {  	v47 =	vld [tilespmem:s13+$0x1080];
	v5 =	vsel vm13, $0xFFFFFFFF, v42;
	vm13 =	vgt.f32 v45, v1;
	v2 =	vsel vm5, v45, v2  }
0xc3: {  	v44 =	vimm.s32 $0x0;
	v48 =	vimm.s32 $0x0;
	v2 =	vsel vm13, v1, v2  }
0xc4: {  	v4 =	vsel vm15, $0xFFFFFFFF, v44;
	v1 =	vsel vm13, v45, v1;
	vm6 =	vgt.f32 v3, v2  }
0xc5: {  	[tilespmem:$0x1FEC0] =	vst v4;
	v4 =	vsel vm6, $0xFFFFFFFF, v48;
	v2 =	vsel vm6, v3, v2;
	vm6 =	vgt.f32 v3, v1  }
0xc6: {  	v49 =	vld [tilespmem:s13+$0x1100];
	v2 =	vsel vm6, v1, v2  }
0xc7: {  	v1 =	vsel vm6, v3, v1;
	v3 =	vimm.s32 $0x0;
	vm15 =	vgt.f32 v47, v2  }
0xc8: {  	v46 =	vimm.s32 $0x0;
	[tilespmem:$0x1FEB0] =	vst v5;
	v3 =	vsel vm15, $0xFFFFFFFF, v3  }
0xc9: {  	v5 =	vsel vm5, $0xFFFFFFFF, v46;
	vm5 =	vgt.f32 v47, v1;
	v2 =	vsel vm15, v47, v2;
	[tilespmem:$0x1FF00] =	vst v3;
	v3 =	vld [tilespmem:s13+$0x1180]  }
0xca: {  	v2 =	vsel vm5, v1, v2  }
0xcb: {  	v50 =	vimm.s32 $0x0;
	v1 =	vsel vm5, v47, v1;
	vm4 =	vgt.f32 v49, v2  }
0xcc: {  	v51 =	vld [tilespmem:s13+$0x1200];
	[tilespmem:$0x1FEE0] =	vst v5;
	v5 =	vsel vm4, $0xFFFFFFFF, v50;
	v2 =	vsel vm4, v49, v2;
	vm4 =	vgt.f32 v49, v1  }
0xcd: {  	v2 =	vsel vm4, v1, v2  }
0xce: {  	v1 =	vsel vm4, v49, v1;
	vm15 =	vgt.f32 v3, v2  }
0xcf: {  	v52 =	vimm.s32 $0x0;
	vm3 =	vgt.f32 v3, v1;
	v2 =	vsel vm15, v3, v2  }
0xd0: {  	v53 =	vld [tilespmem:s13+$0x1280];
	[tilespmem:$0x1FEF0] =	vst v4;
	v4 =	vsel vm15, $0xFFFFFFFF, v52;
	v2 =	vsel vm3, v1, v2  }
0xd1: {  	v1 =	vsel vm3, v3, v1;
	v3 =	vimm.s32 $0x0;
	vm15 =	vgt.f32 v51, v2  }
0xd2: {  	v56 =	vld [tilespmem:$0x1FE80];
	v3 =	vsel vm15, $0xFFFFFFFF, v3  }
0xd3: {  	vm2 =	vgt.f32 v51, v1;
	v2 =	vsel vm15, v51, v2;
	[tilespmem:$0x1FF30] =	vst v3;
	v3 =	vld [tilespmem:s13+$0x1300]  }
0xd4: {  	v2 =	vsel vm2, v1, v2  }
0xd5: {  	v1 =	vsel vm2, v51, v1;
	vm15 =	vgt.f32 v53, v2  }
0xd6: {  	vm1 =	vgt.f32 v53, v1;
	v2 =	vsel vm15, v53, v2  }
0xd7: {  	v54 =	vimm.s32 $0x0;
	vm0 =	vnez.u8 v56;
	v2 =	vsel vm1, v1, v2  }
0xd8: {  	[tilespmem:$0x1FF10] =	vst v5;
	v5 =	vsel vm15, $0xFFFFFFFF, v54;
	v1 =	vsel vm1, v53, v1;
	vm15 =	vgt.f32 v3, v2  }
0xd9: {  	v55 =	vld [tilespmem:s13+$0x1380];
	vm0 =	vmand vm10, vm0;
	vm10 =	vgt.f32 v3, v1;
	v2 =	vsel vm15, v3, v2  }
0xda: {  	v2 =	vsel vm10, v1, v2;
	v1 =	vsel vm10, v3, v1;
	v3 =	vld [tilespmem:$0x1FE90];
	_ =	sdelay $0x1  }
0xdb: {  	v59 =	vld [tilespmem:$0x1FEA0];
	_ =	sdelay $0x1  }
0xdc: {  	v6 =	vsel vm14, $0x1, v0;
	v60 =	vld [tilespmem:$0x1FEB0]  }
0xdd: {  	v57 =	vsel vm0, $0x1, v0;
	vm14 =	vgt.f32 v55, v2;
	vm0 =	vnez.u8 v3  }
0xde: {  	v58 =	vsel vm12, $0x2, v6;
	v61 =	vld [tilespmem:$0x1FEC0];
	v2 =	vsel vm14, v55, v2;
	v3 =	vsel vm0, $0x2, v57  }
0xdf: {  	vm0 =	vgt.f32 v55, v1;
	v3 =	vsel vm12, v6, v3;
	vm12 =	vnez.u8 v59  }
0xe0: {  	v2 =	vsel vm0, v1, v2;
	v1 =	vsel vm0, v55, v1;
	v3 =	vsel vm12, $0x3, v3  }
0xe1: {  	v1 =	vsub.f32 v2, v1;
	vm12 =	vnez.u8 v60;
	v2 =	vsel vm9, v58, v3  }
0xe2: {  	v3 =	vsel vm9, $0x3, v58;
	v2 =	vsel vm12, $0x4, v2  }
0xe3: {  	v1 =	vmul.f32 $1.442695020e+00, v1;
	vm12 =	vnez.u8 v61;
	v2 =	vsel vm8, v3, v2  }
0xe4: {  	v3 =	vsel vm8, $0x4, v3;
	v2 =	vsel vm12, $0x5, v2  }
0xe5: {  	(erf) = vpow2.f32 v1;
	v1 =	vsel vm7, v3, v2;
	v2 =	vsel vm7, $0x5, v3;
	v3 =	vld [tilespmem:$0x1FED0];
	_ =	sdelay $0x4  }
0xe6: {  	vm9 =	vnez.u8 v3;
	v3 =	vld [tilespmem:$0x1FEE0];
	_ =	sdelay $0x3  }
0xe7: {  	v1 =	vsel vm9, $0x6, v1  }
0xe8: {  	v1 =	vsel vm11, v2, v1;
	v2 =	vsel vm11, $0x6, v2;
	vm11 =	vnez.u8 v3;
	v3 =	vld [tilespmem:$0x1FEF0];
	_ =	sdelay $0x4  }
0xe9: {  	vm12 =	vnez.u8 v3;
	v3 =	vld [tilespmem:$0x1FF00];
	_ =	sdelay $0x3  }
0xea: {  	v1 =	vsel vm11, $0x7, v1  }
0xeb: {  	v1 =	vsel vm13, v2, v1;
	v2 =	vsel vm13, $0x7, v2;
	vm13 =	vnez.u8 v3;
	v3 =	vpop (erf)  }
0xec: {  	v3 =	vadd.f32 $1.000000000e+00, v3  }
0xed: {  	v62 =	vld [tilespmem:$0x1FF10]  }
0xee: {  	[tilespmem:$0x1FF20] =	vst v4;
	(erf) = vrcp.f32 v3;
	v3 =	vld [tilespmem:$0x1FF30]  }
0xef: {  	v63 =	vld [tilespmem:$0x1FF20];
	v1 =	vsel vm12, $0x8, v1  }
0xf0: {  	v1 =	vsel vm6, v2, v1  }
0xf1: {  	v2 =	vsel vm6, $0x8, v2;
	v1 =	vsel vm13, $0x9, v1  }
0xf2: {  	[tilespmem:$0x1FF40] =	vst v5;
	vm9 =	vnez.u8 v62;
	v1 =	vsel vm5, v2, v1  }
0xf3: {  	v2 =	vsel vm5, $0x9, v2;
	v1 =	vsel vm9, $0xA, v1;
	vm12 =	vnez.u8 v3;
	v3 =	vld [tilespmem:$0x1FF40]  }
0xf4: {  	vm11 =	vnez.u8 v63;
	v1 =	vsel vm4, v2, v1  }
0xf5: {  	v2 =	vsel vm4, $0xA, v2;
	v1 =	vsel vm11, $0xB, v1  }
0xf6: {  	v1 =	vsel vm3, v2, v1  }
0xf7: {  	v2 =	vsel vm3, $0xB, v2;
	v1 =	vsel vm12, $0xC, v1  }
0xf8: {  	v1 =	vsel vm2, v2, v1;
	vm13 =	vnez.u8 v3  }
0xf9: {  	v2 =	vsel vm2, $0xC, v2;
	v1 =	vsel vm13, $0xD, v1  }
0xfa: {  	v1 =	vsel vm1, v2, v1  }
0xfb: {  	v2 =	vsel vm1, $0xD, v2;
	v1 =	vsel vm15, $0xE, v1  }
0xfc: {  	s11 =	sshll.u32 s11, $0x5;
	v1 =	vsel vm10, v2, v1;
	v2 =	vsel vm10, $0xE, v2  }
0xfd: {  	s11 =	sand.u32 $0xFFFFFF00, s11  }
0xfe: {  	s11 =	sor.u32 s12, s11;
	v1 =	vsel vm14, $0xF, v1;
	v3 =	vsel vm0, $0xF, v2  }
0xff: {  	v1 =	vsel vm0, v2, v1;
	[tilespmem:s11+$0x2400] =	vst v3;
	v2 =	vpop (erf)  }
0x100: {  	[tilespmem:s11+$0x2480] =	vst v1;
	v1 =	vsub.f32 $1.000000000e+00, v2  }
0x101: {  	[tilespmem:s11+$0x2000] =	vst v2  }
0x102: {  	[tilespmem:s11+$0x2080] =	vst v1  }
0x103: {  	[hbm4b:s4+s2] =	stream.linear.scatter [tilespmem:s8], [sflag:$0x1], $0x400, $0x38;
	[tilespmem:$0x2800] =	vst v63  }
0x104: {  	s10 =	sadd.s32 $0x1, s10;
	_ =	swait.ge [sflag:s7], $0x400  }
0x105: {  	p0 =	sne.s32 s10, s6;
	[sflag:s7] =	ssyncset.done $0x0  }
.Ltmp1:
0x106: {  	[sflag:s7] =	ssyncadd.s32 $0xFFFFFC00;
	(pc) =	sbr.rel @p0 .LBB2_1-.Ltmp1, $4  }
0x107: {  	[hbm4b:s5+s2] =	stream.linear.scatter [tilespmem:s9], [sflag:$0x1], $0x400, $0x38;
	[tilespmem:$0x2800] =	vst v63  }
0x108: {  	_ =	swait.ge [sflag:s7], $0x400  }
0x109: {  	[sflag:s7] =	ssyncset.done $0x0  }
0x10a: {  	[sflag:s7] =	ssyncadd.s32 $0xFFFFFC00  }
0x10b: {  	_ =	sfence.sel $0x180000  }
0x10c: {  	[bflag:$0x0] =	sbarrier.arrive $0xFFFF  }
0x10d: {  	p0 =	sne.s32 s1, $0x0;
	_ =	strace $0x90000047  }
0x10e: {  	s0 =	sadd.s32 @!p0 $0x100000, s0;
	[bflag:$0x2] =	sbarrier.arrive $0xFFFF  }
0x10f: {  	[sflag:s0] =	ssyncadd.tile.s32 @!p0 $0x1;
	_ =	shalt  }
.Lfunc_end2:
_tile_overlayer_lowered:
.L_overlay_start_2:
0x110: {  	(tag) =	ssettag $0x2  }
0x111: {  	s0 =	rddreg [dreg:$0x0];
	s2 =	stileid.u32  }
0x112: {  	s1 =	rddreg [dreg:$0x1];
	p0 =	sne.s32 s2, $0x0  }
0x113: {  	s3 =	rddreg [dreg:$0x2];
	[bflag:$0x3] =	sbarrier.arrive $0xFFFF;
	s2 =	simm.s32 @!p0 $0x1C01  }
0x114: {  	[timem:s3], [sflag:s2] =	dma.local @!p0 [hbm:s0], s1  }
0x115: {  	s0 =	simm.s32 @!p0 $0x1  }
0x116: {  	_ =	swait.ge @!p0 [sflag:s0], s1  }
0x117: {  	s1 =	ssub.s32 @!p0 $0x0, s1;
	[sflag:s0] =	ssyncset.done @!p0 $0x0  }
0x118: {  	[sflag:s0] =	ssyncadd.s32 @!p0 s1  }
0x119: {  	[bflag:$0x3] =	sbarrier.arrive $0xFFFF  }
0x11a: {  	_ =	shalt  }

</sc_bundles>
